<compile_context>
chip_gen: v7x
topology: tpu7x:2x2x1
jax: 0.10.2.dev20260603
libtpu: 0.0.44.dev20260713+nightly
codegen_flags: <defaults>
</compile_context>

<pallas_src>
import functools

import jax
import jax.numpy as jnp
from jax import lax
from jax.experimental import pallas as pl
from jax.experimental.pallas import tpu as pltpu
from jax.experimental.pallas import tpu_sc as plsc

_VOCAB = 1000000
_CLASSES = 1000
_D = 32
_B = 4096
_L = 200

_NC = 2
_NS = 16
_NW = _NC * _NS
_ROWS_PER_W = _B // _NW
_NBUF = 4


def _sc_pool_body(x_hbm, table_hbm, out_hbm, idx_v, bufs, acc, sems):
    wid = lax.axis_index("s") * _NC + lax.axis_index("c")
    row_base = wid * _ROWS_PER_W

    pltpu.sync_copy(x_hbm.at[pl.ds(row_base, _ROWS_PER_W)], idx_v)

    def fire(b, s):
        pltpu.async_copy(
            table_hbm.at[idx_v.at[b]],
            bufs.at[s],
            sems.at[s],
        )

    def drain(b, s):
        pltpu.make_async_copy(
            table_hbm.at[idx_v.at[b]],
            bufs.at[s],
            sems.at[s],
        ).wait()

    for s in range(_NBUF):
        fire(s, s)

    zeros = jnp.zeros((16,), jnp.float32)

    def outer(bb, carry):
        for s in range(_NBUF):
            b = bb * _NBUF + s
            drain(b, s)

            def body(r, c):
                a0, a1, a2, a3 = c
                a0 = a0 + bufs[s, 2 * r, pl.ds(0, 16)]
                a1 = a1 + bufs[s, 2 * r, pl.ds(16, 16)]
                a2 = a2 + bufs[s, 2 * r + 1, pl.ds(0, 16)]
                a3 = a3 + bufs[s, 2 * r + 1, pl.ds(16, 16)]
                return (a0, a1, a2, a3)

            nb = b + _NBUF

            @pl.when(nb < _ROWS_PER_W)
            def _():
                fire(nb, s)

            a0, a1, a2, a3 = lax.fori_loop(
                0, _L // 2, body, (zeros, zeros, zeros, zeros), unroll=2
            )
            acc[b, pl.ds(0, 16)] = a0 + a2
            acc[b, pl.ds(16, 16)] = a1 + a3
        return carry

    lax.fori_loop(0, _ROWS_PER_W // _NBUF, outer, 0)

    pltpu.sync_copy(acc, out_hbm.at[pl.ds(row_base, _ROWS_PER_W)])


@functools.cache
def _sc_pool():
    return pl.kernel(
        _sc_pool_body,
        mesh=plsc.VectorSubcoreMesh(core_axis_name="c", subcore_axis_name="s"),
        compiler_params=pltpu.CompilerParams(use_tc_tiling_on_sc=False),
        out_type=jax.ShapeDtypeStruct((_B, _D), jnp.float32),
        scratch_types=[
            pltpu.VMEM((_ROWS_PER_W, _L), jnp.int32),
            pltpu.VMEM((_NBUF, _L, _D), jnp.float32),
            pltpu.VMEM((_ROWS_PER_W, _D), jnp.float32),
            pltpu.SemaphoreType.DMA((_NBUF,)),
        ],
    )


def _tc_head_body(p_ref, w_ref, b_ref, o_ref):
    t = jnp.tanh(p_ref[...] * (1.0 / _L))
    o_ref[...] = (
        lax.dot_general(
            w_ref[...], t, (((1,), (1,)), ((), ())),
            preferred_element_type=jnp.float32,
        )
        + b_ref[...]
    )


def _tc_head(pooled, W, b2d):
    blk = 512
    out_t = pl.pallas_call(
        _tc_head_body,
        grid=(_B // blk,),
        in_specs=[
            pl.BlockSpec((blk, _D), lambda i: (i, 0)),
            pl.BlockSpec((_CLASSES, _D), lambda i: (0, 0)),
            pl.BlockSpec((_CLASSES, 1), lambda i: (0, 0)),
        ],
        out_specs=pl.BlockSpec((_CLASSES, blk), lambda i: (0, i)),
        out_shape=jax.ShapeDtypeStruct((_CLASSES, _B), jnp.float32),
    )(pooled, W, b2d)
    return out_t.T


@jax.jit
def kernel(x, emb_table, W, b):
    pooled = _sc_pool()(x, emb_table)
    return _tc_head(pooled, W, b.reshape(_CLASSES, 1))

# --- scband reference (transcript-rebuilt; emitter-appended) ---
"""Pipeline reference for scband-my-model-19129784336453 (READ-ONLY COPY).

The authoritative reference and input builder live on the scoring server;
editing this copy changes nothing except your own understanding.
"""

import jax, jax.numpy as jnp
import numpy as np

VOCAB = 1000000
CLASSES = 1000
WORD_DIM = 32
BATCH = 4096
HIST = 200

def setup_inputs(seed: int = 0) -> dict:
    key = jax.random.key(seed)
    k1, k2, k3, k4 = jax.random.split(key, 4)
    x = jax.random.randint(k1, (BATCH, HIST), 0, VOCAB, dtype=jnp.int64 if jax.config.jax_enable_x64 else jnp.int32).astype(jnp.int32)
    emb_table = jax.random.normal(k2, (VOCAB, WORD_DIM), dtype=jnp.float32) * 0.02
    W = jax.random.normal(k3, (CLASSES, WORD_DIM), dtype=jnp.float32) * (1.0 / np.sqrt(WORD_DIM))
    b = jax.random.normal(k4, (CLASSES,), dtype=jnp.float32) * 0.01
    return {"x": x, "emb_table": emb_table, "W": W, "b": b}

def reference(x, emb_table, W, b):
    # embeds = self.embedding(x)  -> gather
    embeds = jnp.take(emb_table, x, axis=0)            # [B, L, D]
    # avg_embeds = sum over dim 1 / L
    avg_embeds = jnp.sum(embeds, axis=1) / embeds.shape[1]  # [B, D]
    # logits = Linear(tanh(avg_embeds))
    logits = jnp.tanh(avg_embeds) @ W.T + b            # [B, classes]
    return logits

if __name__ == "__main__":
    import jax
    _d = setup_inputs()
    print(jax.jit(kernel)(*tuple(_d.values())))

</pallas_src>

<mosaic_0001>
#map = affine_map<(d0, d1) -> (0, 0)>
module attributes {stable_mosaic.version = 14 : i64} {
  func.func @_sc_pool_body(%arg0: i32, %arg1: i32, %arg2: memref<4096x200xi32, #tpu.memory_space<hbm>>, %arg3: memref<1000000x32xf32, #tpu.memory_space<hbm>>, %arg4: memref<4096x32xf32, #tpu.memory_space<hbm>>, %arg5: memref<128x200xi32, #tpu.memory_space<vmem>>, %arg6: memref<4x200x32xf32, #tpu.memory_space<vmem>>, %arg7: memref<128x32xf32, #tpu.memory_space<vmem>>, %arg8: memref<4x!tpu.dma_semaphore, #tpu.memory_space<semaphore_mem>>) attributes {dimension_semantics = [#tpu.dimension_semantics<core_parallel>, #tpu.dimension_semantics<subcore_parallel>], iteration_bounds = array<i64: 2, 16>, scalar_prefetch = 0 : i64, scratch_operands = 4 : i64, tpu.core_type = #tpu.core_type<sc_vector_subcore>, window_params = [{transform_indices = #map}, {transform_indices = #map}, {transform_indices = #map}]} {
    %mul3A = arith.constant 2 : i32
    %mul3A_0 = arith.muli %arg1, %mul3A : i32
    %add3A = arith.addi %mul3A_0, %arg0 : i32
    %mul3A_1 = arith.constant 128 : i32
    %mul3A_2 = arith.muli %add3A, %mul3A_1 : i32
    "tpu.region"() ({
      %run_scoped3A = tpu.sem_alloc : memref<!tpu.dma_semaphore, #tpu.memory_space<semaphore_mem>>
      %dma_start3A_68 = arith.constant 0 : i32
      %dma_start3A_69 = tpu.memref_slice %arg2[%mul3A_2, %dma_start3A_68] : memref<4096x200xi32, #tpu.memory_space<hbm>> -> memref<128x200xi32, #tpu.memory_space<hbm>>
      %dma_start3A_70 = arith.constant 0 : i32
      %dma_start3A_71 = tpu.memref_slice %arg2[%mul3A_2, %dma_start3A_70] : memref<4096x200xi32, #tpu.memory_space<hbm>> -> memref<128x200xi32, #tpu.memory_space<hbm>>
      tpu.enqueue_dma source(%dma_start3A_71 : memref<128x200xi32, #tpu.memory_space<hbm>>) target(%arg5 : memref<128x200xi32, #tpu.memory_space<vmem>>) target_semaphore(%run_scoped3A : memref<!tpu.dma_semaphore, #tpu.memory_space<semaphore_mem>>)
      %dma_wait3A = arith.constant 0 : i32
      %dma_wait3A_72 = tpu.memref_slice %arg2[%mul3A_2, %dma_wait3A] : memref<4096x200xi32, #tpu.memory_space<hbm>> -> memref<128x200xi32, #tpu.memory_space<hbm>>
      %dma_wait3A_73 = arith.constant 0 : i32
      %dma_wait3A_74 = tpu.memref_slice %arg2[%mul3A_2, %dma_wait3A_73] : memref<4096x200xi32, #tpu.memory_space<hbm>> -> memref<128x200xi32, #tpu.memory_space<hbm>>
      tpu.wait_dma2 semaphore(%run_scoped3A : memref<!tpu.dma_semaphore, #tpu.memory_space<semaphore_mem>>) src(%dma_wait3A_74 : memref<128x200xi32, #tpu.memory_space<hbm>>) dst(%arg5 : memref<128x200xi32, #tpu.memory_space<vmem>>)
      tpu.yield
    }) : () -> ()
    %dma_start3A = arith.constant 0 : i32
    %dma_start3A_3 = arith.constant 0 : i32
    %dma_start3A_4 = arith.constant 0 : i32
    %dma_start3A_5 = arith.constant 0 : i32
    %dma_start3A_6 = arith.constant 0 : i32
    %dma_start3A_7 = tpu.memref_slice %arg6[%dma_start3A_3, %dma_start3A_5, %dma_start3A_6] : memref<4x200x32xf32, #tpu.memory_space<vmem>> -> memref<1x200x32xf32, #tpu.memory_space<vmem>>
    %dma_start3A_8 = tpu.memref_squeeze %dma_start3A_7 : memref<1x200x32xf32, #tpu.memory_space<vmem>> -> memref<200x32xf32, #tpu.memory_space<vmem>>
    %dma_start3A_9 = arith.constant 0 : i32
    %dma_start3A_10 = tpu.memref_slice %arg5[%dma_start3A, %dma_start3A_9] : memref<128x200xi32, #tpu.memory_space<vmem>> -> memref<1x200xi32, #tpu.memory_space<vmem>>
    %dma_start3A_11 = tpu.memref_squeeze %dma_start3A_10 : memref<1x200xi32, #tpu.memory_space<vmem>> -> memref<200xi32, #tpu.memory_space<vmem>>
    %dma_start3A_12 = arith.constant 0 : i32
    %dma_start3A_13 = arith.constant 0 : i32
    %dma_start3A_14 = tpu.memref_slice %arg3[%dma_start3A_12, %dma_start3A_13] : memref<1000000x32xf32, #tpu.memory_space<hbm>> -> memref<1000000x32xf32, #tpu.memory_space<hbm>>
    %dma_start3A_15 = tpu.memref_slice %arg8[%dma_start3A_4] : memref<4x!tpu.dma_semaphore, #tpu.memory_space<semaphore_mem>> -> memref<1x!tpu.dma_semaphore, #tpu.memory_space<semaphore_mem>>
    %dma_start3A_16 = tpu.memref_squeeze %dma_start3A_15 : memref<1x!tpu.dma_semaphore, #tpu.memory_space<semaphore_mem>> -> memref<!tpu.dma_semaphore, #tpu.memory_space<semaphore_mem>>
    tpu.enqueue_indirect_dma source(%dma_start3A_14 : memref<1000000x32xf32, #tpu.memory_space<hbm>>) target(%dma_start3A_8 : memref<200x32xf32, #tpu.memory_space<vmem>>) offsets(%dma_start3A_11 : memref<200xi32, #tpu.memory_space<vmem>>) semaphore(%dma_start3A_16 : memref<!tpu.dma_semaphore, #tpu.memory_space<semaphore_mem>>)
    %dma_start3A_17 = arith.constant 1 : i32
    %dma_start3A_18 = arith.constant 1 : i32
    %dma_start3A_19 = arith.constant 1 : i32
    %dma_start3A_20 = arith.constant 0 : i32
    %dma_start3A_21 = arith.constant 0 : i32
    %dma_start3A_22 = tpu.memref_slice %arg6[%dma_start3A_18, %dma_start3A_20, %dma_start3A_21] : memref<4x200x32xf32, #tpu.memory_space<vmem>> -> memref<1x200x32xf32, #tpu.memory_space<vmem>>
    %dma_start3A_23 = tpu.memref_squeeze %dma_start3A_22 : memref<1x200x32xf32, #tpu.memory_space<vmem>> -> memref<200x32xf32, #tpu.memory_space<vmem>>
    %dma_start3A_24 = arith.constant 0 : i32
    %dma_start3A_25 = tpu.memref_slice %arg5[%dma_start3A_17, %dma_start3A_24] : memref<128x200xi32, #tpu.memory_space<vmem>> -> memref<1x200xi32, #tpu.memory_space<vmem>>
    %dma_start3A_26 = tpu.memref_squeeze %dma_start3A_25 : memref<1x200xi32, #tpu.memory_space<vmem>> -> memref<200xi32, #tpu.memory_space<vmem>>
    %dma_start3A_27 = arith.constant 0 : i32
    %dma_start3A_28 = arith.constant 0 : i32
    %dma_start3A_29 = tpu.memref_slice %arg3[%dma_start3A_27, %dma_start3A_28] : memref<1000000x32xf32, #tpu.memory_space<hbm>> -> memref<1000000x32xf32, #tpu.memory_space<hbm>>
    %dma_start3A_30 = tpu.memref_slice %arg8[%dma_start3A_19] : memref<4x!tpu.dma_semaphore, #tpu.memory_space<semaphore_mem>> -> memref<1x!tpu.dma_semaphore, #tpu.memory_space<semaphore_mem>>
    %dma_start3A_31 = tpu.memref_squeeze %dma_start3A_30 : memref<1x!tpu.dma_semaphore, #tpu.memory_space<semaphore_mem>> -> memref<!tpu.dma_semaphore, #tpu.memory_space<semaphore_mem>>
    tpu.enqueue_indirect_dma source(%dma_start3A_29 : memref<1000000x32xf32, #tpu.memory_space<hbm>>) target(%dma_start3A_23 : memref<200x32xf32, #tpu.memory_space<vmem>>) offsets(%dma_start3A_26 : memref<200xi32, #tpu.memory_space<vmem>>) semaphore(%dma_start3A_31 : memref<!tpu.dma_semaphore, #tpu.memory_space<semaphore_mem>>)
    %dma_start3A_32 = arith.constant 2 : i32
    %dma_start3A_33 = arith.constant 2 : i32
    %dma_start3A_34 = arith.constant 2 : i32
    %dma_start3A_35 = arith.constant 0 : i32
    %dma_start3A_36 = arith.constant 0 : i32
    %dma_start3A_37 = tpu.memref_slice %arg6[%dma_start3A_33, %dma_start3A_35, %dma_start3A_36] : memref<4x200x32xf32, #tpu.memory_space<vmem>> -> memref<1x200x32xf32, #tpu.memory_space<vmem>>
    %dma_start3A_38 = tpu.memref_squeeze %dma_start3A_37 : memref<1x200x32xf32, #tpu.memory_space<vmem>> -> memref<200x32xf32, #tpu.memory_space<vmem>>
    %dma_start3A_39 = arith.constant 0 : i32
    %dma_start3A_40 = tpu.memref_slice %arg5[%dma_start3A_32, %dma_start3A_39] : memref<128x200xi32, #tpu.memory_space<vmem>> -> memref<1x200xi32, #tpu.memory_space<vmem>>
    %dma_start3A_41 = tpu.memref_squeeze %dma_start3A_40 : memref<1x200xi32, #tpu.memory_space<vmem>> -> memref<200xi32, #tpu.memory_space<vmem>>
    %dma_start3A_42 = arith.constant 0 : i32
    %dma_start3A_43 = arith.constant 0 : i32
    %dma_start3A_44 = tpu.memref_slice %arg3[%dma_start3A_42, %dma_start3A_43] : memref<1000000x32xf32, #tpu.memory_space<hbm>> -> memref<1000000x32xf32, #tpu.memory_space<hbm>>
    %dma_start3A_45 = tpu.memref_slice %arg8[%dma_start3A_34] : memref<4x!tpu.dma_semaphore, #tpu.memory_space<semaphore_mem>> -> memref<1x!tpu.dma_semaphore, #tpu.memory_space<semaphore_mem>>
    %dma_start3A_46 = tpu.memref_squeeze %dma_start3A_45 : memref<1x!tpu.dma_semaphore, #tpu.memory_space<semaphore_mem>> -> memref<!tpu.dma_semaphore, #tpu.memory_space<semaphore_mem>>
    tpu.enqueue_indirect_dma source(%dma_start3A_44 : memref<1000000x32xf32, #tpu.memory_space<hbm>>) target(%dma_start3A_38 : memref<200x32xf32, #tpu.memory_space<vmem>>) offsets(%dma_start3A_41 : memref<200xi32, #tpu.memory_space<vmem>>) semaphore(%dma_start3A_46 : memref<!tpu.dma_semaphore, #tpu.memory_space<semaphore_mem>>)
    %dma_start3A_47 = arith.constant 3 : i32
    %dma_start3A_48 = arith.constant 3 : i32
    %dma_start3A_49 = arith.constant 3 : i32
    %dma_start3A_50 = arith.constant 0 : i32
    %dma_start3A_51 = arith.constant 0 : i32
    %dma_start3A_52 = tpu.memref_slice %arg6[%dma_start3A_48, %dma_start3A_50, %dma_start3A_51] : memref<4x200x32xf32, #tpu.memory_space<vmem>> -> memref<1x200x32xf32, #tpu.memory_space<vmem>>
    %dma_start3A_53 = tpu.memref_squeeze %dma_start3A_52 : memref<1x200x32xf32, #tpu.memory_space<vmem>> -> memref<200x32xf32, #tpu.memory_space<vmem>>
    %dma_start3A_54 = arith.constant 0 : i32
    %dma_start3A_55 = tpu.memref_slice %arg5[%dma_start3A_47, %dma_start3A_54] : memref<128x200xi32, #tpu.memory_space<vmem>> -> memref<1x200xi32, #tpu.memory_space<vmem>>
    %dma_start3A_56 = tpu.memref_squeeze %dma_start3A_55 : memref<1x200xi32, #tpu.memory_space<vmem>> -> memref<200xi32, #tpu.memory_space<vmem>>
    %dma_start3A_57 = arith.constant 0 : i32
    %dma_start3A_58 = arith.constant 0 : i32
    %dma_start3A_59 = tpu.memref_slice %arg3[%dma_start3A_57, %dma_start3A_58] : memref<1000000x32xf32, #tpu.memory_space<hbm>> -> memref<1000000x32xf32, #tpu.memory_space<hbm>>
    %dma_start3A_60 = tpu.memref_slice %arg8[%dma_start3A_49] : memref<4x!tpu.dma_semaphore, #tpu.memory_space<semaphore_mem>> -> memref<1x!tpu.dma_semaphore, #tpu.memory_space<semaphore_mem>>
    %dma_start3A_61 = tpu.memref_squeeze %dma_start3A_60 : memref<1x!tpu.dma_semaphore, #tpu.memory_space<semaphore_mem>> -> memref<!tpu.dma_semaphore, #tpu.memory_space<semaphore_mem>>
    tpu.enqueue_indirect_dma source(%dma_start3A_59 : memref<1000000x32xf32, #tpu.memory_space<hbm>>) target(%dma_start3A_53 : memref<200x32xf32, #tpu.memory_space<vmem>>) offsets(%dma_start3A_56 : memref<200xi32, #tpu.memory_space<vmem>>) semaphore(%dma_start3A_61 : memref<!tpu.dma_semaphore, #tpu.memory_space<semaphore_mem>>)
    %broadcast_in_dim3A = arith.constant 0.000000e+00 : f32
    %broadcast_in_dim3A_62 = vector.broadcast %broadcast_in_dim3A : f32 to vector<16xf32>
    %scan3A = arith.constant 0 : i32
    %scan3A_63 = arith.constant 0 : i32
    %scan3A_64 = arith.constant 32 : i32
    %scan3A_65 = arith.addi %scan3A_63, %scan3A_64 : i32
    %scan3A_66 = arith.constant 1 : i32
    scf.for %scan3A_68 = %scan3A_63 to %scan3A_65 step %scan3A_66  : i32 {
      %mul3A_69 = arith.constant 4 : i32
      %mul3A_70 = arith.muli %scan3A_68, %mul3A_69 : i32
      %add3A_71 = arith.constant 0 : i32
      %add3A_72 = arith.addi %mul3A_70, %add3A_71 : i32
      %dma_wait3A = arith.constant 0 : i32
      %dma_wait3A_73 = arith.constant 0 : i32
      %dma_wait3A_74 = arith.constant 0 : i32
      %dma_wait3A_75 = arith.constant 0 : i32
      %dma_wait3A_76 = tpu.memref_slice %arg6[%dma_wait3A, %dma_wait3A_74, %dma_wait3A_75] : memref<4x200x32xf32, #tpu.memory_space<vmem>> -> memref<1x200x32xf32, #tpu.memory_space<vmem>>
      %dma_wait3A_77 = tpu.memref_squeeze %dma_wait3A_76 : memref<1x200x32xf32, #tpu.memory_space<vmem>> -> memref<200x32xf32, #tpu.memory_space<vmem>>
      %dma_wait3A_78 = arith.constant 0 : i32
      %dma_wait3A_79 = tpu.memref_slice %arg5[%add3A_72, %dma_wait3A_78] : memref<128x200xi32, #tpu.memory_space<vmem>> -> memref<1x200xi32, #tpu.memory_space<vmem>>
      %dma_wait3A_80 = tpu.memref_squeeze %dma_wait3A_79 : memref<1x200xi32, #tpu.memory_space<vmem>> -> memref<200xi32, #tpu.memory_space<vmem>>
      %dma_wait3A_81 = arith.constant 0 : i32
      %dma_wait3A_82 = arith.constant 0 : i32
      %dma_wait3A_83 = tpu.memref_slice %arg3[%dma_wait3A_81, %dma_wait3A_82] : memref<1000000x32xf32, #tpu.memory_space<hbm>> -> memref<1000000x32xf32, #tpu.memory_space<hbm>>
      %dma_wait3A_84 = tpu.memref_slice %arg8[%dma_wait3A_73] : memref<4x!tpu.dma_semaphore, #tpu.memory_space<semaphore_mem>> -> memref<1x!tpu.dma_semaphore, #tpu.memory_space<semaphore_mem>>
      %dma_wait3A_85 = tpu.memref_squeeze %dma_wait3A_84 : memref<1x!tpu.dma_semaphore, #tpu.memory_space<semaphore_mem>> -> memref<!tpu.dma_semaphore, #tpu.memory_space<semaphore_mem>>
      tpu.wait_indirect_dma semaphore(%dma_wait3A_85 : memref<!tpu.dma_semaphore, #tpu.memory_space<semaphore_mem>>) src(%dma_wait3A_83 : memref<1000000x32xf32, #tpu.memory_space<hbm>>) dst(%dma_wait3A_77 : memref<200x32xf32, #tpu.memory_space<vmem>>)
      %add3A_86 = arith.constant 4 : i32
      %add3A_87 = arith.addi %add3A_72, %add3A_86 : i32
      %lt3A = arith.constant 128 : i32
      %lt3A_88 = arith.cmpi slt, %add3A_87, %lt3A : i32
      %convert_element_type3A = arith.extui %lt3A_88 : i1 to i32
      %cond3A = arith.constant 0 : i32
      %cond3A_89 = arith.cmpi ne, %convert_element_type3A, %cond3A : i32
      scf.if %cond3A_89 {
        %dma_start3A_236 = arith.constant 0 : i32
        %dma_start3A_237 = arith.constant 0 : i32
        %dma_start3A_238 = arith.constant 0 : i32
        %dma_start3A_239 = arith.constant 0 : i32
        %dma_start3A_240 = tpu.memref_slice %arg6[%dma_start3A_236, %dma_start3A_238, %dma_start3A_239] : memref<4x200x32xf32, #tpu.memory_space<vmem>> -> memref<1x200x32xf32, #tpu.memory_space<vmem>>
        %dma_start3A_241 = tpu.memref_squeeze %dma_start3A_240 : memref<1x200x32xf32, #tpu.memory_space<vmem>> -> memref<200x32xf32, #tpu.memory_space<vmem>>
        %dma_start3A_242 = arith.constant 0 : i32
        %dma_start3A_243 = tpu.memref_slice %arg5[%add3A_87, %dma_start3A_242] : memref<128x200xi32, #tpu.memory_space<vmem>> -> memref<1x200xi32, #tpu.memory_space<vmem>>
        %dma_start3A_244 = tpu.memref_squeeze %dma_start3A_243 : memref<1x200xi32, #tpu.memory_space<vmem>> -> memref<200xi32, #tpu.memory_space<vmem>>
        %dma_start3A_245 = arith.constant 0 : i32
        %dma_start3A_246 = arith.constant 0 : i32
        %dma_start3A_247 = tpu.memref_slice %arg3[%dma_start3A_245, %dma_start3A_246] : memref<1000000x32xf32, #tpu.memory_space<hbm>> -> memref<1000000x32xf32, #tpu.memory_space<hbm>>
        %dma_start3A_248 = tpu.memref_slice %arg8[%dma_start3A_237] : memref<4x!tpu.dma_semaphore, #tpu.memory_space<semaphore_mem>> -> memref<1x!tpu.dma_semaphore, #tpu.memory_space<semaphore_mem>>
        %dma_start3A_249 = tpu.memref_squeeze %dma_start3A_248 : memref<1x!tpu.dma_semaphore, #tpu.memory_space<semaphore_mem>> -> memref<!tpu.dma_semaphore, #tpu.memory_space<semaphore_mem>>
        tpu.enqueue_indirect_dma source(%dma_start3A_247 : memref<1000000x32xf32, #tpu.memory_space<hbm>>) target(%dma_start3A_241 : memref<200x32xf32, #tpu.memory_space<vmem>>) offsets(%dma_start3A_244 : memref<200xi32, #tpu.memory_space<vmem>>) semaphore(%dma_start3A_249 : memref<!tpu.dma_semaphore, #tpu.memory_space<semaphore_mem>>)
      } else {
      }
      %scan3A_90 = arith.constant 0 : i32
      %scan3A_91 = arith.constant 100 : i32
      %scan3A_92 = arith.addi %scan3A_90, %scan3A_91 : i32
      %scan3A_93 = arith.constant 2 : i32
      %scan3A_94:4 = scf.for %scan3A_236 = %scan3A_90 to %scan3A_92 step %scan3A_93 iter_args(%scan3A_237 = %broadcast_in_dim3A_62, %scan3A_238 = %broadcast_in_dim3A_62, %scan3A_239 = %broadcast_in_dim3A_62, %scan3A_240 = %broadcast_in_dim3A_62) -> (vector<16xf32>, vector<16xf32>, vector<16xf32>, vector<16xf32>)  : i32 {
        %mul3A_241 = arith.constant 2 : i32
        %mul3A_242 = arith.muli %mul3A_241, %scan3A_236 : i32
        %get3A = arith.constant 0 : i32
        %get3A_243 = arith.index_cast %get3A : i32 to index
        %get3A_244 = arith.index_cast %mul3A_242 : i32 to index
        %get3A_245 = arith.constant 0 : index
        %get3A_246 = tpu.vector_load %arg6[%get3A_243, %get3A_244, %get3A_245] {strides = array<i32>} : memref<4x200x32xf32, #tpu.memory_space<vmem>>, vector<1x1x16xf32>,
        %get3A_247 = vector.shape_cast %get3A_246 : vector<1x1x16xf32> to vector<16xf32>
        %add3A_248 = arith.addf %scan3A_237, %get3A_247 : vector<16xf32>
        %mul3A_249 = arith.constant 2 : i32
        %mul3A_250 = arith.muli %mul3A_249, %scan3A_236 : i32
        %get3A_251 = arith.constant 0 : i32
        %get3A_252 = arith.index_cast %get3A_251 : i32 to index
        %get3A_253 = arith.index_cast %mul3A_250 : i32 to index
        %get3A_254 = arith.constant 16 : index
        %get3A_255 = tpu.vector_load %arg6[%get3A_252, %get3A_253, %get3A_254] {strides = array<i32>} : memref<4x200x32xf32, #tpu.memory_space<vmem>>, vector<1x1x16xf32>,
        %get3A_256 = vector.shape_cast %get3A_255 : vector<1x1x16xf32> to vector<16xf32>
        %add3A_257 = arith.addf %scan3A_238, %get3A_256 : vector<16xf32>
        %mul3A_258 = arith.constant 2 : i32
        %mul3A_259 = arith.muli %mul3A_258, %scan3A_236 : i32
        %add3A_260 = arith.constant 1 : i32
        %add3A_261 = arith.addi %mul3A_259, %add3A_260 : i32
        %get3A_262 = arith.constant 0 : i32
        %get3A_263 = arith.index_cast %get3A_262 : i32 to index
        %get3A_264 = arith.index_cast %add3A_261 : i32 to index
        %get3A_265 = arith.constant 0 : index
        %get3A_266 = tpu.vector_load %arg6[%get3A_263, %get3A_264, %get3A_265] {strides = array<i32>} : memref<4x200x32xf32, #tpu.memory_space<vmem>>, vector<1x1x16xf32>,
        %get3A_267 = vector.shape_cast %get3A_266 : vector<1x1x16xf32> to vector<16xf32>
        %add3A_268 = arith.addf %scan3A_239, %get3A_267 : vector<16xf32>
        %mul3A_269 = arith.constant 2 : i32
        %mul3A_270 = arith.muli %mul3A_269, %scan3A_236 : i32
        %add3A_271 = arith.constant 1 : i32
        %add3A_272 = arith.addi %mul3A_270, %add3A_271 : i32
        %get3A_273 = arith.constant 0 : i32
        %get3A_274 = arith.index_cast %get3A_273 : i32 to index
        %get3A_275 = arith.index_cast %add3A_272 : i32 to index
        %get3A_276 = arith.constant 16 : index
        %get3A_277 = tpu.vector_load %arg6[%get3A_274, %get3A_275, %get3A_276] {strides = array<i32>} : memref<4x200x32xf32, #tpu.memory_space<vmem>>, vector<1x1x16xf32>,
        %get3A_278 = vector.shape_cast %get3A_277 : vector<1x1x16xf32> to vector<16xf32>
        %add3A_279 = arith.addf %scan3A_240, %get3A_278 : vector<16xf32>
        %scan3A_280 = arith.constant 1 : i32
        %scan3A_281 = arith.addi %scan3A_236, %scan3A_280 : i32
        %mul3A_282 = arith.constant 2 : i32
        %mul3A_283 = arith.muli %mul3A_282, %scan3A_281 : i32
        %get3A_284 = arith.constant 0 : i32
        %get3A_285 = arith.index_cast %get3A_284 : i32 to index
        %get3A_286 = arith.index_cast %mul3A_283 : i32 to index
        %get3A_287 = arith.constant 0 : index
        %get3A_288 = tpu.vector_load %arg6[%get3A_285, %get3A_286, %get3A_287] {strides = array<i32>} : memref<4x200x32xf32, #tpu.memory_space<vmem>>, vector<1x1x16xf32>,
        %get3A_289 = vector.shape_cast %get3A_288 : vector<1x1x16xf32> to vector<16xf32>
        %add3A_290 = arith.addf %add3A_248, %get3A_289 : vector<16xf32>
        %mul3A_291 = arith.constant 2 : i32
        %mul3A_292 = arith.muli %mul3A_291, %scan3A_281 : i32
        %get3A_293 = arith.constant 0 : i32
        %get3A_294 = arith.index_cast %get3A_293 : i32 to index
        %get3A_295 = arith.index_cast %mul3A_292 : i32 to index
        %get3A_296 = arith.constant 16 : index
        %get3A_297 = tpu.vector_load %arg6[%get3A_294, %get3A_295, %get3A_296] {strides = array<i32>} : memref<4x200x32xf32, #tpu.memory_space<vmem>>, vector<1x1x16xf32>,
        %get3A_298 = vector.shape_cast %get3A_297 : vector<1x1x16xf32> to vector<16xf32>
        %add3A_299 = arith.addf %add3A_257, %get3A_298 : vector<16xf32>
        %mul3A_300 = arith.constant 2 : i32
        %mul3A_301 = arith.muli %mul3A_300, %scan3A_281 : i32
        %add3A_302 = arith.constant 1 : i32
        %add3A_303 = arith.addi %mul3A_301, %add3A_302 : i32
        %get3A_304 = arith.constant 0 : i32
        %get3A_305 = arith.index_cast %get3A_304 : i32 to index
        %get3A_306 = arith.index_cast %add3A_303 : i32 to index
        %get3A_307 = arith.constant 0 : index
        %get3A_308 = tpu.vector_load %arg6[%get3A_305, %get3A_306, %get3A_307] {strides = array<i32>} : memref<4x200x32xf32, #tpu.memory_space<vmem>>, vector<1x1x16xf32>,
        %get3A_309 = vector.shape_cast %get3A_308 : vector<1x1x16xf32> to vector<16xf32>
        %add3A_310 = arith.addf %add3A_268, %get3A_309 : vector<16xf32>
        %mul3A_311 = arith.constant 2 : i32
        %mul3A_312 = arith.muli %mul3A_311, %scan3A_281 : i32
        %add3A_313 = arith.constant 1 : i32
        %add3A_314 = arith.addi %mul3A_312, %add3A_313 : i32
        %get3A_315 = arith.constant 0 : i32
        %get3A_316 = arith.index_cast %get3A_315 : i32 to index
        %get3A_317 = arith.index_cast %add3A_314 : i32 to index
        %get3A_318 = arith.constant 16 : index
        %get3A_319 = tpu.vector_load %arg6[%get3A_316, %get3A_317, %get3A_318] {strides = array<i32>} : memref<4x200x32xf32, #tpu.memory_space<vmem>>, vector<1x1x16xf32>,
        %get3A_320 = vector.shape_cast %get3A_319 : vector<1x1x16xf32> to vector<16xf32>
        %add3A_321 = arith.addf %add3A_279, %get3A_320 : vector<16xf32>
        scf.yield %add3A_290, %add3A_299, %add3A_310, %add3A_321 : vector<16xf32>, vector<16xf32>, vector<16xf32>, vector<16xf32>
      }
      %scan3A_95 = arith.constant 100 : i32
      %add3A_96 = arith.addf %scan3A_94#0, %scan3A_94#2 : vector<16xf32>
      %swap3A = arith.index_cast %add3A_72 : i32 to index
      %swap3A_97 = arith.constant 0 : index
      %swap3A_98 = tpu.vector_load %arg7[%swap3A, %swap3A_97] {strides = array<i32>} : memref<128x32xf32, #tpu.memory_space<vmem>>, vector<1x16xf32>,
      %swap3A_99 = vector.shape_cast %swap3A_98 : vector<1x16xf32> to vector<16xf32>
      %swap3A_100 = vector.shape_cast %add3A_96 : vector<16xf32> to vector<1x16xf32>
      tpu.vector_store %arg7[%swap3A, %swap3A_97], %swap3A_100 {strides = array<i32>} : memref<128x32xf32, #tpu.memory_space<vmem>>, vector<1x16xf32>,
      %add3A_101 = arith.addf %scan3A_94#1, %scan3A_94#3 : vector<16xf32>
      %swap3A_102 = arith.index_cast %add3A_72 : i32 to index
      %swap3A_103 = arith.constant 16 : index
      %swap3A_104 = tpu.vector_load %arg7[%swap3A_102, %swap3A_103] {strides = array<i32>} : memref<128x32xf32, #tpu.memory_space<vmem>>, vector<1x16xf32>,
      %swap3A_105 = vector.shape_cast %swap3A_104 : vector<1x16xf32> to vector<16xf32>
      %swap3A_106 = vector.shape_cast %add3A_101 : vector<16xf32> to vector<1x16xf32>
      tpu.vector_store %arg7[%swap3A_102, %swap3A_103], %swap3A_106 {strides = array<i32>} : memref<128x32xf32, #tpu.memory_space<vmem>>, vector<1x16xf32>,
      %mul3A_107 = arith.constant 4 : i32
      %mul3A_108 = arith.muli %scan3A_68, %mul3A_107 : i32
      %add3A_109 = arith.constant 1 : i32
      %add3A_110 = arith.addi %mul3A_108, %add3A_109 : i32
      %dma_wait3A_111 = arith.constant 1 : i32
      %dma_wait3A_112 = arith.constant 1 : i32
      %dma_wait3A_113 = arith.constant 0 : i32
      %dma_wait3A_114 = arith.constant 0 : i32
      %dma_wait3A_115 = tpu.memref_slice %arg6[%dma_wait3A_111, %dma_wait3A_113, %dma_wait3A_114] : memref<4x200x32xf32, #tpu.memory_space<vmem>> -> memref<1x200x32xf32, #tpu.memory_space<vmem>>
      %dma_wait3A_116 = tpu.memref_squeeze %dma_wait3A_115 : memref<1x200x32xf32, #tpu.memory_space<vmem>> -> memref<200x32xf32, #tpu.memory_space<vmem>>
      %dma_wait3A_117 = arith.constant 0 : i32
      %dma_wait3A_118 = tpu.memref_slice %arg5[%add3A_110, %dma_wait3A_117] : memref<128x200xi32, #tpu.memory_space<vmem>> -> memref<1x200xi32, #tpu.memory_space<vmem>>
      %dma_wait3A_119 = tpu.memref_squeeze %dma_wait3A_118 : memref<1x200xi32, #tpu.memory_space<vmem>> -> memref<200xi32, #tpu.memory_space<vmem>>
      %dma_wait3A_120 = arith.constant 0 : i32
      %dma_wait3A_121 = arith.constant 0 : i32
      %dma_wait3A_122 = tpu.memref_slice %arg3[%dma_wait3A_120, %dma_wait3A_121] : memref<1000000x32xf32, #tpu.memory_space<hbm>> -> memref<1000000x32xf32, #tpu.memory_space<hbm>>
      %dma_wait3A_123 = tpu.memref_slice %arg8[%dma_wait3A_112] : memref<4x!tpu.dma_semaphore, #tpu.memory_space<semaphore_mem>> -> memref<1x!tpu.dma_semaphore, #tpu.memory_space<semaphore_mem>>
      %dma_wait3A_124 = tpu.memref_squeeze %dma_wait3A_123 : memref<1x!tpu.dma_semaphore, #tpu.memory_space<semaphore_mem>> -> memref<!tpu.dma_semaphore, #tpu.memory_space<semaphore_mem>>
      tpu.wait_indirect_dma semaphore(%dma_wait3A_124 : memref<!tpu.dma_semaphore, #tpu.memory_space<semaphore_mem>>) src(%dma_wait3A_122 : memref<1000000x32xf32, #tpu.memory_space<hbm>>) dst(%dma_wait3A_116 : memref<200x32xf32, #tpu.memory_space<vmem>>)
      %add3A_125 = arith.constant 4 : i32
      %add3A_126 = arith.addi %add3A_110, %add3A_125 : i32
      %lt3A_127 = arith.constant 128 : i32
      %lt3A_128 = arith.cmpi slt, %add3A_126, %lt3A_127 : i32
      %convert_element_type3A_129 = arith.extui %lt3A_128 : i1 to i32
      %cond3A_130 = arith.constant 0 : i32
      %cond3A_131 = arith.cmpi ne, %convert_element_type3A_129, %cond3A_130 : i32
      scf.if %cond3A_131 {
        %dma_start3A_236 = arith.constant 1 : i32
        %dma_start3A_237 = arith.constant 1 : i32
        %dma_start3A_238 = arith.constant 0 : i32
        %dma_start3A_239 = arith.constant 0 : i32
        %dma_start3A_240 = tpu.memref_slice %arg6[%dma_start3A_236, %dma_start3A_238, %dma_start3A_239] : memref<4x200x32xf32, #tpu.memory_space<vmem>> -> memref<1x200x32xf32, #tpu.memory_space<vmem>>
        %dma_start3A_241 = tpu.memref_squeeze %dma_start3A_240 : memref<1x200x32xf32, #tpu.memory_space<vmem>> -> memref<200x32xf32, #tpu.memory_space<vmem>>
        %dma_start3A_242 = arith.constant 0 : i32
        %dma_start3A_243 = tpu.memref_slice %arg5[%add3A_126, %dma_start3A_242] : memref<128x200xi32, #tpu.memory_space<vmem>> -> memref<1x200xi32, #tpu.memory_space<vmem>>
        %dma_start3A_244 = tpu.memref_squeeze %dma_start3A_243 : memref<1x200xi32, #tpu.memory_space<vmem>> -> memref<200xi32, #tpu.memory_space<vmem>>
        %dma_start3A_245 = arith.constant 0 : i32
        %dma_start3A_246 = arith.constant 0 : i32
        %dma_start3A_247 = tpu.memref_slice %arg3[%dma_start3A_245, %dma_start3A_246] : memref<1000000x32xf32, #tpu.memory_space<hbm>> -> memref<1000000x32xf32, #tpu.memory_space<hbm>>
        %dma_start3A_248 = tpu.memref_slice %arg8[%dma_start3A_237] : memref<4x!tpu.dma_semaphore, #tpu.memory_space<semaphore_mem>> -> memref<1x!tpu.dma_semaphore, #tpu.memory_space<semaphore_mem>>
        %dma_start3A_249 = tpu.memref_squeeze %dma_start3A_248 : memref<1x!tpu.dma_semaphore, #tpu.memory_space<semaphore_mem>> -> memref<!tpu.dma_semaphore, #tpu.memory_space<semaphore_mem>>
        tpu.enqueue_indirect_dma source(%dma_start3A_247 : memref<1000000x32xf32, #tpu.memory_space<hbm>>) target(%dma_start3A_241 : memref<200x32xf32, #tpu.memory_space<vmem>>) offsets(%dma_start3A_244 : memref<200xi32, #tpu.memory_space<vmem>>) semaphore(%dma_start3A_249 : memref<!tpu.dma_semaphore, #tpu.memory_space<semaphore_mem>>)
      } else {
      }
      %scan3A_132 = arith.constant 0 : i32
      %scan3A_133 = arith.constant 100 : i32
      %scan3A_134 = arith.addi %scan3A_132, %scan3A_133 : i32
      %scan3A_135 = arith.constant 2 : i32
      %scan3A_136:4 = scf.for %scan3A_236 = %scan3A_132 to %scan3A_134 step %scan3A_135 iter_args(%scan3A_237 = %broadcast_in_dim3A_62, %scan3A_238 = %broadcast_in_dim3A_62, %scan3A_239 = %broadcast_in_dim3A_62, %scan3A_240 = %broadcast_in_dim3A_62) -> (vector<16xf32>, vector<16xf32>, vector<16xf32>, vector<16xf32>)  : i32 {
        %mul3A_241 = arith.constant 2 : i32
        %mul3A_242 = arith.muli %mul3A_241, %scan3A_236 : i32
        %get3A = arith.constant 1 : i32
        %get3A_243 = arith.index_cast %get3A : i32 to index
        %get3A_244 = arith.index_cast %mul3A_242 : i32 to index
        %get3A_245 = arith.constant 0 : index
        %get3A_246 = tpu.vector_load %arg6[%get3A_243, %get3A_244, %get3A_245] {strides = array<i32>} : memref<4x200x32xf32, #tpu.memory_space<vmem>>, vector<1x1x16xf32>,
        %get3A_247 = vector.shape_cast %get3A_246 : vector<1x1x16xf32> to vector<16xf32>
        %add3A_248 = arith.addf %scan3A_237, %get3A_247 : vector<16xf32>
        %mul3A_249 = arith.constant 2 : i32
        %mul3A_250 = arith.muli %mul3A_249, %scan3A_236 : i32
        %get3A_251 = arith.constant 1 : i32
        %get3A_252 = arith.index_cast %get3A_251 : i32 to index
        %get3A_253 = arith.index_cast %mul3A_250 : i32 to index
        %get3A_254 = arith.constant 16 : index
        %get3A_255 = tpu.vector_load %arg6[%get3A_252, %get3A_253, %get3A_254] {strides = array<i32>} : memref<4x200x32xf32, #tpu.memory_space<vmem>>, vector<1x1x16xf32>,
        %get3A_256 = vector.shape_cast %get3A_255 : vector<1x1x16xf32> to vector<16xf32>
        %add3A_257 = arith.addf %scan3A_238, %get3A_256 : vector<16xf32>
        %mul3A_258 = arith.constant 2 : i32
        %mul3A_259 = arith.muli %mul3A_258, %scan3A_236 : i32
        %add3A_260 = arith.constant 1 : i32
        %add3A_261 = arith.addi %mul3A_259, %add3A_260 : i32
        %get3A_262 = arith.constant 1 : i32
        %get3A_263 = arith.index_cast %get3A_262 : i32 to index
        %get3A_264 = arith.index_cast %add3A_261 : i32 to index
        %get3A_265 = arith.constant 0 : index
        %get3A_266 = tpu.vector_load %arg6[%get3A_263, %get3A_264, %get3A_265] {strides = array<i32>} : memref<4x200x32xf32, #tpu.memory_space<vmem>>, vector<1x1x16xf32>,
        %get3A_267 = vector.shape_cast %get3A_266 : vector<1x1x16xf32> to vector<16xf32>
        %add3A_268 = arith.addf %scan3A_239, %get3A_267 : vector<16xf32>
        %mul3A_269 = arith.constant 2 : i32
        %mul3A_270 = arith.muli %mul3A_269, %scan3A_236 : i32
        %add3A_271 = arith.constant 1 : i32
        %add3A_272 = arith.addi %mul3A_270, %add3A_271 : i32
        %get3A_273 = arith.constant 1 : i32
        %get3A_274 = arith.index_cast %get3A_273 : i32 to index
        %get3A_275 = arith.index_cast %add3A_272 : i32 to index
        %get3A_276 = arith.constant 16 : index
        %get3A_277 = tpu.vector_load %arg6[%get3A_274, %get3A_275, %get3A_276] {strides = array<i32>} : memref<4x200x32xf32, #tpu.memory_space<vmem>>, vector<1x1x16xf32>,
        %get3A_278 = vector.shape_cast %get3A_277 : vector<1x1x16xf32> to vector<16xf32>
        %add3A_279 = arith.addf %scan3A_240, %get3A_278 : vector<16xf32>
        %scan3A_280 = arith.constant 1 : i32
        %scan3A_281 = arith.addi %scan3A_236, %scan3A_280 : i32
        %mul3A_282 = arith.constant 2 : i32
        %mul3A_283 = arith.muli %mul3A_282, %scan3A_281 : i32
        %get3A_284 = arith.constant 1 : i32
        %get3A_285 = arith.index_cast %get3A_284 : i32 to index
        %get3A_286 = arith.index_cast %mul3A_283 : i32 to index
        %get3A_287 = arith.constant 0 : index
        %get3A_288 = tpu.vector_load %arg6[%get3A_285, %get3A_286, %get3A_287] {strides = array<i32>} : memref<4x200x32xf32, #tpu.memory_space<vmem>>, vector<1x1x16xf32>,
        %get3A_289 = vector.shape_cast %get3A_288 : vector<1x1x16xf32> to vector<16xf32>
        %add3A_290 = arith.addf %add3A_248, %get3A_289 : vector<16xf32>
        %mul3A_291 = arith.constant 2 : i32
        %mul3A_292 = arith.muli %mul3A_291, %scan3A_281 : i32
        %get3A_293 = arith.constant 1 : i32
        %get3A_294 = arith.index_cast %get3A_293 : i32 to index
        %get3A_295 = arith.index_cast %mul3A_292 : i32 to index
        %get3A_296 = arith.constant 16 : index
        %get3A_297 = tpu.vector_load %arg6[%get3A_294, %get3A_295, %get3A_296] {strides = array<i32>} : memref<4x200x32xf32, #tpu.memory_space<vmem>>, vector<1x1x16xf32>,
        %get3A_298 = vector.shape_cast %get3A_297 : vector<1x1x16xf32> to vector<16xf32>
        %add3A_299 = arith.addf %add3A_257, %get3A_298 : vector<16xf32>
        %mul3A_300 = arith.constant 2 : i32
        %mul3A_301 = arith.muli %mul3A_300, %scan3A_281 : i32
        %add3A_302 = arith.constant 1 : i32
        %add3A_303 = arith.addi %mul3A_301, %add3A_302 : i32
        %get3A_304 = arith.constant 1 : i32
        %get3A_305 = arith.index_cast %get3A_304 : i32 to index
        %get3A_306 = arith.index_cast %add3A_303 : i32 to index
        %get3A_307 = arith.constant 0 : index
        %get3A_308 = tpu.vector_load %arg6[%get3A_305, %get3A_306, %get3A_307] {strides = array<i32>} : memref<4x200x32xf32, #tpu.memory_space<vmem>>, vector<1x1x16xf32>,
        %get3A_309 = vector.shape_cast %get3A_308 : vector<1x1x16xf32> to vector<16xf32>
        %add3A_310 = arith.addf %add3A_268, %get3A_309 : vector<16xf32>
        %mul3A_311 = arith.constant 2 : i32
        %mul3A_312 = arith.muli %mul3A_311, %scan3A_281 : i32
        %add3A_313 = arith.constant 1 : i32
        %add3A_314 = arith.addi %mul3A_312, %add3A_313 : i32
        %get3A_315 = arith.constant 1 : i32
        %get3A_316 = arith.index_cast %get3A_315 : i32 to index
        %get3A_317 = arith.index_cast %add3A_314 : i32 to index
        %get3A_318 = arith.constant 16 : index
        %get3A_319 = tpu.vector_load %arg6[%get3A_316, %get3A_317, %get3A_318] {strides = array<i32>} : memref<4x200x32xf32, #tpu.memory_space<vmem>>, vector<1x1x16xf32>,
        %get3A_320 = vector.shape_cast %get3A_319 : vector<1x1x16xf32> to vector<16xf32>
        %add3A_321 = arith.addf %add3A_279, %get3A_320 : vector<16xf32>
        scf.yield %add3A_290, %add3A_299, %add3A_310, %add3A_321 : vector<16xf32>, vector<16xf32>, vector<16xf32>, vector<16xf32>
      }
      %scan3A_137 = arith.constant 100 : i32
      %add3A_138 = arith.addf %scan3A_136#0, %scan3A_136#2 : vector<16xf32>
      %swap3A_139 = arith.index_cast %add3A_110 : i32 to index
      %swap3A_140 = arith.constant 0 : index
      %swap3A_141 = tpu.vector_load %arg7[%swap3A_139, %swap3A_140] {strides = array<i32>} : memref<128x32xf32, #tpu.memory_space<vmem>>, vector<1x16xf32>,
      %swap3A_142 = vector.shape_cast %swap3A_141 : vector<1x16xf32> to vector<16xf32>
      %swap3A_143 = vector.shape_cast %add3A_138 : vector<16xf32> to vector<1x16xf32>
      tpu.vector_store %arg7[%swap3A_139, %swap3A_140], %swap3A_143 {strides = array<i32>} : memref<128x32xf32, #tpu.memory_space<vmem>>, vector<1x16xf32>,
      %add3A_144 = arith.addf %scan3A_136#1, %scan3A_136#3 : vector<16xf32>
      %swap3A_145 = arith.index_cast %add3A_110 : i32 to index
      %swap3A_146 = arith.constant 16 : index
      %swap3A_147 = tpu.vector_load %arg7[%swap3A_145, %swap3A_146] {strides = array<i32>} : memref<128x32xf32, #tpu.memory_space<vmem>>, vector<1x16xf32>,
      %swap3A_148 = vector.shape_cast %swap3A_147 : vector<1x16xf32> to vector<16xf32>
      %swap3A_149 = vector.shape_cast %add3A_144 : vector<16xf32> to vector<1x16xf32>
      tpu.vector_store %arg7[%swap3A_145, %swap3A_146], %swap3A_149 {strides = array<i32>} : memref<128x32xf32, #tpu.memory_space<vmem>>, vector<1x16xf32>,
      %mul3A_150 = arith.constant 4 : i32
      %mul3A_151 = arith.muli %scan3A_68, %mul3A_150 : i32
      %add3A_152 = arith.constant 2 : i32
      %add3A_153 = arith.addi %mul3A_151, %add3A_152 : i32
      %dma_wait3A_154 = arith.constant 2 : i32
      %dma_wait3A_155 = arith.constant 2 : i32
      %dma_wait3A_156 = arith.constant 0 : i32
      %dma_wait3A_157 = arith.constant 0 : i32
      %dma_wait3A_158 = tpu.memref_slice %arg6[%dma_wait3A_154, %dma_wait3A_156, %dma_wait3A_157] : memref<4x200x32xf32, #tpu.memory_space<vmem>> -> memref<1x200x32xf32, #tpu.memory_space<vmem>>
      %dma_wait3A_159 = tpu.memref_squeeze %dma_wait3A_158 : memref<1x200x32xf32, #tpu.memory_space<vmem>> -> memref<200x32xf32, #tpu.memory_space<vmem>>
      %dma_wait3A_160 = arith.constant 0 : i32
      %dma_wait3A_161 = tpu.memref_slice %arg5[%add3A_153, %dma_wait3A_160] : memref<128x200xi32, #tpu.memory_space<vmem>> -> memref<1x200xi32, #tpu.memory_space<vmem>>
      %dma_wait3A_162 = tpu.memref_squeeze %dma_wait3A_161 : memref<1x200xi32, #tpu.memory_space<vmem>> -> memref<200xi32, #tpu.memory_space<vmem>>
      %dma_wait3A_163 = arith.constant 0 : i32
      %dma_wait3A_164 = arith.constant 0 : i32
      %dma_wait3A_165 = tpu.memref_slice %arg3[%dma_wait3A_163, %dma_wait3A_164] : memref<1000000x32xf32, #tpu.memory_space<hbm>> -> memref<1000000x32xf32, #tpu.memory_space<hbm>>
      %dma_wait3A_166 = tpu.memref_slice %arg8[%dma_wait3A_155] : memref<4x!tpu.dma_semaphore, #tpu.memory_space<semaphore_mem>> -> memref<1x!tpu.dma_semaphore, #tpu.memory_space<semaphore_mem>>
      %dma_wait3A_167 = tpu.memref_squeeze %dma_wait3A_166 : memref<1x!tpu.dma_semaphore, #tpu.memory_space<semaphore_mem>> -> memref<!tpu.dma_semaphore, #tpu.memory_space<semaphore_mem>>
      tpu.wait_indirect_dma semaphore(%dma_wait3A_167 : memref<!tpu.dma_semaphore, #tpu.memory_space<semaphore_mem>>) src(%dma_wait3A_165 : memref<1000000x32xf32, #tpu.memory_space<hbm>>) dst(%dma_wait3A_159 : memref<200x32xf32, #tpu.memory_space<vmem>>)
      %add3A_168 = arith.constant 4 : i32
      %add3A_169 = arith.addi %add3A_153, %add3A_168 : i32
      %lt3A_170 = arith.constant 128 : i32
      %lt3A_171 = arith.cmpi slt, %add3A_169, %lt3A_170 : i32
      %convert_element_type3A_172 = arith.extui %lt3A_171 : i1 to i32
      %cond3A_173 = arith.constant 0 : i32
      %cond3A_174 = arith.cmpi ne, %convert_element_type3A_172, %cond3A_173 : i32
      scf.if %cond3A_174 {
        %dma_start3A_236 = arith.constant 2 : i32
        %dma_start3A_237 = arith.constant 2 : i32
        %dma_start3A_238 = arith.constant 0 : i32
        %dma_start3A_239 = arith.constant 0 : i32
        %dma_start3A_240 = tpu.memref_slice %arg6[%dma_start3A_236, %dma_start3A_238, %dma_start3A_239] : memref<4x200x32xf32, #tpu.memory_space<vmem>> -> memref<1x200x32xf32, #tpu.memory_space<vmem>>
        %dma_start3A_241 = tpu.memref_squeeze %dma_start3A_240 : memref<1x200x32xf32, #tpu.memory_space<vmem>> -> memref<200x32xf32, #tpu.memory_space<vmem>>
        %dma_start3A_242 = arith.constant 0 : i32
        %dma_start3A_243 = tpu.memref_slice %arg5[%add3A_169, %dma_start3A_242] : memref<128x200xi32, #tpu.memory_space<vmem>> -> memref<1x200xi32, #tpu.memory_space<vmem>>
        %dma_start3A_244 = tpu.memref_squeeze %dma_start3A_243 : memref<1x200xi32, #tpu.memory_space<vmem>> -> memref<200xi32, #tpu.memory_space<vmem>>
        %dma_start3A_245 = arith.constant 0 : i32
        %dma_start3A_246 = arith.constant 0 : i32
        %dma_start3A_247 = tpu.memref_slice %arg3[%dma_start3A_245, %dma_start3A_246] : memref<1000000x32xf32, #tpu.memory_space<hbm>> -> memref<1000000x32xf32, #tpu.memory_space<hbm>>
        %dma_start3A_248 = tpu.memref_slice %arg8[%dma_start3A_237] : memref<4x!tpu.dma_semaphore, #tpu.memory_space<semaphore_mem>> -> memref<1x!tpu.dma_semaphore, #tpu.memory_space<semaphore_mem>>
        %dma_start3A_249 = tpu.memref_squeeze %dma_start3A_248 : memref<1x!tpu.dma_semaphore, #tpu.memory_space<semaphore_mem>> -> memref<!tpu.dma_semaphore, #tpu.memory_space<semaphore_mem>>
        tpu.enqueue_indirect_dma source(%dma_start3A_247 : memref<1000000x32xf32, #tpu.memory_space<hbm>>) target(%dma_start3A_241 : memref<200x32xf32, #tpu.memory_space<vmem>>) offsets(%dma_start3A_244 : memref<200xi32, #tpu.memory_space<vmem>>) semaphore(%dma_start3A_249 : memref<!tpu.dma_semaphore, #tpu.memory_space<semaphore_mem>>)
      } else {
      }
      %scan3A_175 = arith.constant 0 : i32
      %scan3A_176 = arith.constant 100 : i32
      %scan3A_177 = arith.addi %scan3A_175, %scan3A_176 : i32
      %scan3A_178 = arith.constant 2 : i32
      %scan3A_179:4 = scf.for %scan3A_236 = %scan3A_175 to %scan3A_177 step %scan3A_178 iter_args(%scan3A_237 = %broadcast_in_dim3A_62, %scan3A_238 = %broadcast_in_dim3A_62, %scan3A_239 = %broadcast_in_dim3A_62, %scan3A_240 = %broadcast_in_dim3A_62) -> (vector<16xf32>, vector<16xf32>, vector<16xf32>, vector<16xf32>)  : i32 {
        %mul3A_241 = arith.constant 2 : i32
        %mul3A_242 = arith.muli %mul3A_241, %scan3A_236 : i32
        %get3A = arith.constant 2 : i32
        %get3A_243 = arith.index_cast %get3A : i32 to index
        %get3A_244 = arith.index_cast %mul3A_242 : i32 to index
        %get3A_245 = arith.constant 0 : index
        %get3A_246 = tpu.vector_load %arg6[%get3A_243, %get3A_244, %get3A_245] {strides = array<i32>} : memref<4x200x32xf32, #tpu.memory_space<vmem>>, vector<1x1x16xf32>,
        %get3A_247 = vector.shape_cast %get3A_246 : vector<1x1x16xf32> to vector<16xf32>
        %add3A_248 = arith.addf %scan3A_237, %get3A_247 : vector<16xf32>
        %mul3A_249 = arith.constant 2 : i32
        %mul3A_250 = arith.muli %mul3A_249, %scan3A_236 : i32
        %get3A_251 = arith.constant 2 : i32
        %get3A_252 = arith.index_cast %get3A_251 : i32 to index
        %get3A_253 = arith.index_cast %mul3A_250 : i32 to index
        %get3A_254 = arith.constant 16 : index
        %get3A_255 = tpu.vector_load %arg6[%get3A_252, %get3A_253, %get3A_254] {strides = array<i32>} : memref<4x200x32xf32, #tpu.memory_space<vmem>>, vector<1x1x16xf32>,
        %get3A_256 = vector.shape_cast %get3A_255 : vector<1x1x16xf32> to vector<16xf32>
        %add3A_257 = arith.addf %scan3A_238, %get3A_256 : vector<16xf32>
        %mul3A_258 = arith.constant 2 : i32
        %mul3A_259 = arith.muli %mul3A_258, %scan3A_236 : i32
        %add3A_260 = arith.constant 1 : i32
        %add3A_261 = arith.addi %mul3A_259, %add3A_260 : i32
        %get3A_262 = arith.constant 2 : i32
        %get3A_263 = arith.index_cast %get3A_262 : i32 to index
        %get3A_264 = arith.index_cast %add3A_261 : i32 to index
        %get3A_265 = arith.constant 0 : index
        %get3A_266 = tpu.vector_load %arg6[%get3A_263, %get3A_264, %get3A_265] {strides = array<i32>} : memref<4x200x32xf32, #tpu.memory_space<vmem>>, vector<1x1x16xf32>,
        %get3A_267 = vector.shape_cast %get3A_266 : vector<1x1x16xf32> to vector<16xf32>
        %add3A_268 = arith.addf %scan3A_239, %get3A_267 : vector<16xf32>
        %mul3A_269 = arith.constant 2 : i32
        %mul3A_270 = arith.muli %mul3A_269, %scan3A_236 : i32
        %add3A_271 = arith.constant 1 : i32
        %add3A_272 = arith.addi %mul3A_270, %add3A_271 : i32
        %get3A_273 = arith.constant 2 : i32
        %get3A_274 = arith.index_cast %get3A_273 : i32 to index
        %get3A_275 = arith.index_cast %add3A_272 : i32 to index
        %get3A_276 = arith.constant 16 : index
        %get3A_277 = tpu.vector_load %arg6[%get3A_274, %get3A_275, %get3A_276] {strides = array<i32>} : memref<4x200x32xf32, #tpu.memory_space<vmem>>, vector<1x1x16xf32>,
        %get3A_278 = vector.shape_cast %get3A_277 : vector<1x1x16xf32> to vector<16xf32>
        %add3A_279 = arith.addf %scan3A_240, %get3A_278 : vector<16xf32>
        %scan3A_280 = arith.constant 1 : i32
        %scan3A_281 = arith.addi %scan3A_236, %scan3A_280 : i32
        %mul3A_282 = arith.constant 2 : i32
        %mul3A_283 = arith.muli %mul3A_282, %scan3A_281 : i32
        %get3A_284 = arith.constant 2 : i32
        %get3A_285 = arith.index_cast %get3A_284 : i32 to index
        %get3A_286 = arith.index_cast %mul3A_283 : i32 to index
        %get3A_287 = arith.constant 0 : index
        %get3A_288 = tpu.vector_load %arg6[%get3A_285, %get3A_286, %get3A_287] {strides = array<i32>} : memref<4x200x32xf32, #tpu.memory_space<vmem>>, vector<1x1x16xf32>,
        %get3A_289 = vector.shape_cast %get3A_288 : vector<1x1x16xf32> to vector<16xf32>
        %add3A_290 = arith.addf %add3A_248, %get3A_289 : vector<16xf32>
        %mul3A_291 = arith.constant 2 : i32
        %mul3A_292 = arith.muli %mul3A_291, %scan3A_281 : i32
        %get3A_293 = arith.constant 2 : i32
        %get3A_294 = arith.index_cast %get3A_293 : i32 to index
        %get3A_295 = arith.index_cast %mul3A_292 : i32 to index
        %get3A_296 = arith.constant 16 : index
        %get3A_297 = tpu.vector_load %arg6[%get3A_294, %get3A_295, %get3A_296] {strides = array<i32>} : memref<4x200x32xf32, #tpu.memory_space<vmem>>, vector<1x1x16xf32>,
        %get3A_298 = vector.shape_cast %get3A_297 : vector<1x1x16xf32> to vector<16xf32>
        %add3A_299 = arith.addf %add3A_257, %get3A_298 : vector<16xf32>
        %mul3A_300 = arith.constant 2 : i32
        %mul3A_301 = arith.muli %mul3A_300, %scan3A_281 : i32
        %add3A_302 = arith.constant 1 : i32
        %add3A_303 = arith.addi %mul3A_301, %add3A_302 : i32
        %get3A_304 = arith.constant 2 : i32
        %get3A_305 = arith.index_cast %get3A_304 : i32 to index
        %get3A_306 = arith.index_cast %add3A_303 : i32 to index
        %get3A_307 = arith.constant 0 : index
        %get3A_308 = tpu.vector_load %arg6[%get3A_305, %get3A_306, %get3A_307] {strides = array<i32>} : memref<4x200x32xf32, #tpu.memory_space<vmem>>, vector<1x1x16xf32>,
        %get3A_309 = vector.shape_cast %get3A_308 : vector<1x1x16xf32> to vector<16xf32>
        %add3A_310 = arith.addf %add3A_268, %get3A_309 : vector<16xf32>
        %mul3A_311 = arith.constant 2 : i32
        %mul3A_312 = arith.muli %mul3A_311, %scan3A_281 : i32
        %add3A_313 = arith.constant 1 : i32
        %add3A_314 = arith.addi %mul3A_312, %add3A_313 : i32
        %get3A_315 = arith.constant 2 : i32
        %get3A_316 = arith.index_cast %get3A_315 : i32 to index
        %get3A_317 = arith.index_cast %add3A_314 : i32 to index
        %get3A_318 = arith.constant 16 : index
        %get3A_319 = tpu.vector_load %arg6[%get3A_316, %get3A_317, %get3A_318] {strides = array<i32>} : memref<4x200x32xf32, #tpu.memory_space<vmem>>, vector<1x1x16xf32>,
        %get3A_320 = vector.shape_cast %get3A_319 : vector<1x1x16xf32> to vector<16xf32>
        %add3A_321 = arith.addf %add3A_279, %get3A_320 : vector<16xf32>
        scf.yield %add3A_290, %add3A_299, %add3A_310, %add3A_321 : vector<16xf32>, vector<16xf32>, vector<16xf32>, vector<16xf32>
      }
      %scan3A_180 = arith.constant 100 : i32
      %add3A_181 = arith.addf %scan3A_179#0, %scan3A_179#2 : vector<16xf32>
      %swap3A_182 = arith.index_cast %add3A_153 : i32 to index
      %swap3A_183 = arith.constant 0 : index
      %swap3A_184 = tpu.vector_load %arg7[%swap3A_182, %swap3A_183] {strides = array<i32>} : memref<128x32xf32, #tpu.memory_space<vmem>>, vector<1x16xf32>,
      %swap3A_185 = vector.shape_cast %swap3A_184 : vector<1x16xf32> to vector<16xf32>
      %swap3A_186 = vector.shape_cast %add3A_181 : vector<16xf32> to vector<1x16xf32>
      tpu.vector_store %arg7[%swap3A_182, %swap3A_183], %swap3A_186 {strides = array<i32>} : memref<128x32xf32, #tpu.memory_space<vmem>>, vector<1x16xf32>,
      %add3A_187 = arith.addf %scan3A_179#1, %scan3A_179#3 : vector<16xf32>
      %swap3A_188 = arith.index_cast %add3A_153 : i32 to index
      %swap3A_189 = arith.constant 16 : index
      %swap3A_190 = tpu.vector_load %arg7[%swap3A_188, %swap3A_189] {strides = array<i32>} : memref<128x32xf32, #tpu.memory_space<vmem>>, vector<1x16xf32>,
      %swap3A_191 = vector.shape_cast %swap3A_190 : vector<1x16xf32> to vector<16xf32>
      %swap3A_192 = vector.shape_cast %add3A_187 : vector<16xf32> to vector<1x16xf32>
      tpu.vector_store %arg7[%swap3A_188, %swap3A_189], %swap3A_192 {strides = array<i32>} : memref<128x32xf32, #tpu.memory_space<vmem>>, vector<1x16xf32>,
      %mul3A_193 = arith.constant 4 : i32
      %mul3A_194 = arith.muli %scan3A_68, %mul3A_193 : i32
      %add3A_195 = arith.constant 3 : i32
      %add3A_196 = arith.addi %mul3A_194, %add3A_195 : i32
      %dma_wait3A_197 = arith.constant 3 : i32
      %dma_wait3A_198 = arith.constant 3 : i32
      %dma_wait3A_199 = arith.constant 0 : i32
      %dma_wait3A_200 = arith.constant 0 : i32
      %dma_wait3A_201 = tpu.memref_slice %arg6[%dma_wait3A_197, %dma_wait3A_199, %dma_wait3A_200] : memref<4x200x32xf32, #tpu.memory_space<vmem>> -> memref<1x200x32xf32, #tpu.memory_space<vmem>>
      %dma_wait3A_202 = tpu.memref_squeeze %dma_wait3A_201 : memref<1x200x32xf32, #tpu.memory_space<vmem>> -> memref<200x32xf32, #tpu.memory_space<vmem>>
      %dma_wait3A_203 = arith.constant 0 : i32
      %dma_wait3A_204 = tpu.memref_slice %arg5[%add3A_196, %dma_wait3A_203] : memref<128x200xi32, #tpu.memory_space<vmem>> -> memref<1x200xi32, #tpu.memory_space<vmem>>
      %dma_wait3A_205 = tpu.memref_squeeze %dma_wait3A_204 : memref<1x200xi32, #tpu.memory_space<vmem>> -> memref<200xi32, #tpu.memory_space<vmem>>
      %dma_wait3A_206 = arith.constant 0 : i32
      %dma_wait3A_207 = arith.constant 0 : i32
      %dma_wait3A_208 = tpu.memref_slice %arg3[%dma_wait3A_206, %dma_wait3A_207] : memref<1000000x32xf32, #tpu.memory_space<hbm>> -> memref<1000000x32xf32, #tpu.memory_space<hbm>>
      %dma_wait3A_209 = tpu.memref_slice %arg8[%dma_wait3A_198] : memref<4x!tpu.dma_semaphore, #tpu.memory_space<semaphore_mem>> -> memref<1x!tpu.dma_semaphore, #tpu.memory_space<semaphore_mem>>
      %dma_wait3A_210 = tpu.memref_squeeze %dma_wait3A_209 : memref<1x!tpu.dma_semaphore, #tpu.memory_space<semaphore_mem>> -> memref<!tpu.dma_semaphore, #tpu.memory_space<semaphore_mem>>
      tpu.wait_indirect_dma semaphore(%dma_wait3A_210 : memref<!tpu.dma_semaphore, #tpu.memory_space<semaphore_mem>>) src(%dma_wait3A_208 : memref<1000000x32xf32, #tpu.memory_space<hbm>>) dst(%dma_wait3A_202 : memref<200x32xf32, #tpu.memory_space<vmem>>)
      %add3A_211 = arith.constant 4 : i32
      %add3A_212 = arith.addi %add3A_196, %add3A_211 : i32
      %lt3A_213 = arith.constant 128 : i32
      %lt3A_214 = arith.cmpi slt, %add3A_212, %lt3A_213 : i32
      %convert_element_type3A_215 = arith.extui %lt3A_214 : i1 to i32
      %cond3A_216 = arith.constant 0 : i32
      %cond3A_217 = arith.cmpi ne, %convert_element_type3A_215, %cond3A_216 : i32
      scf.if %cond3A_217 {
        %dma_start3A_236 = arith.constant 3 : i32
        %dma_start3A_237 = arith.constant 3 : i32
        %dma_start3A_238 = arith.constant 0 : i32
        %dma_start3A_239 = arith.constant 0 : i32
        %dma_start3A_240 = tpu.memref_slice %arg6[%dma_start3A_236, %dma_start3A_238, %dma_start3A_239] : memref<4x200x32xf32, #tpu.memory_space<vmem>> -> memref<1x200x32xf32, #tpu.memory_space<vmem>>
        %dma_start3A_241 = tpu.memref_squeeze %dma_start3A_240 : memref<1x200x32xf32, #tpu.memory_space<vmem>> -> memref<200x32xf32, #tpu.memory_space<vmem>>
        %dma_start3A_242 = arith.constant 0 : i32
        %dma_start3A_243 = tpu.memref_slice %arg5[%add3A_212, %dma_start3A_242] : memref<128x200xi32, #tpu.memory_space<vmem>> -> memref<1x200xi32, #tpu.memory_space<vmem>>
        %dma_start3A_244 = tpu.memref_squeeze %dma_start3A_243 : memref<1x200xi32, #tpu.memory_space<vmem>> -> memref<200xi32, #tpu.memory_space<vmem>>
        %dma_start3A_245 = arith.constant 0 : i32
        %dma_start3A_246 = arith.constant 0 : i32
        %dma_start3A_247 = tpu.memref_slice %arg3[%dma_start3A_245, %dma_start3A_246] : memref<1000000x32xf32, #tpu.memory_space<hbm>> -> memref<1000000x32xf32, #tpu.memory_space<hbm>>
        %dma_start3A_248 = tpu.memref_slice %arg8[%dma_start3A_237] : memref<4x!tpu.dma_semaphore, #tpu.memory_space<semaphore_mem>> -> memref<1x!tpu.dma_semaphore, #tpu.memory_space<semaphore_mem>>
        %dma_start3A_249 = tpu.memref_squeeze %dma_start3A_248 : memref<1x!tpu.dma_semaphore, #tpu.memory_space<semaphore_mem>> -> memref<!tpu.dma_semaphore, #tpu.memory_space<semaphore_mem>>
        tpu.enqueue_indirect_dma source(%dma_start3A_247 : memref<1000000x32xf32, #tpu.memory_space<hbm>>) target(%dma_start3A_241 : memref<200x32xf32, #tpu.memory_space<vmem>>) offsets(%dma_start3A_244 : memref<200xi32, #tpu.memory_space<vmem>>) semaphore(%dma_start3A_249 : memref<!tpu.dma_semaphore, #tpu.memory_space<semaphore_mem>>)
      } else {
      }
      %scan3A_218 = arith.constant 0 : i32
      %scan3A_219 = arith.constant 100 : i32
      %scan3A_220 = arith.addi %scan3A_218, %scan3A_219 : i32
      %scan3A_221 = arith.constant 2 : i32
      %scan3A_222:4 = scf.for %scan3A_236 = %scan3A_218 to %scan3A_220 step %scan3A_221 iter_args(%scan3A_237 = %broadcast_in_dim3A_62, %scan3A_238 = %broadcast_in_dim3A_62, %scan3A_239 = %broadcast_in_dim3A_62, %scan3A_240 = %broadcast_in_dim3A_62) -> (vector<16xf32>, vector<16xf32>, vector<16xf32>, vector<16xf32>)  : i32 {
        %mul3A_241 = arith.constant 2 : i32
        %mul3A_242 = arith.muli %mul3A_241, %scan3A_236 : i32
        %get3A = arith.constant 3 : i32
        %get3A_243 = arith.index_cast %get3A : i32 to index
        %get3A_244 = arith.index_cast %mul3A_242 : i32 to index
        %get3A_245 = arith.constant 0 : index
        %get3A_246 = tpu.vector_load %arg6[%get3A_243, %get3A_244, %get3A_245] {strides = array<i32>} : memref<4x200x32xf32, #tpu.memory_space<vmem>>, vector<1x1x16xf32>,
        %get3A_247 = vector.shape_cast %get3A_246 : vector<1x1x16xf32> to vector<16xf32>
        %add3A_248 = arith.addf %scan3A_237, %get3A_247 : vector<16xf32>
        %mul3A_249 = arith.constant 2 : i32
        %mul3A_250 = arith.muli %mul3A_249, %scan3A_236 : i32
        %get3A_251 = arith.constant 3 : i32
        %get3A_252 = arith.index_cast %get3A_251 : i32 to index
        %get3A_253 = arith.index_cast %mul3A_250 : i32 to index
        %get3A_254 = arith.constant 16 : index
        %get3A_255 = tpu.vector_load %arg6[%get3A_252, %get3A_253, %get3A_254] {strides = array<i32>} : memref<4x200x32xf32, #tpu.memory_space<vmem>>, vector<1x1x16xf32>,
        %get3A_256 = vector.shape_cast %get3A_255 : vector<1x1x16xf32> to vector<16xf32>
        %add3A_257 = arith.addf %scan3A_238, %get3A_256 : vector<16xf32>
        %mul3A_258 = arith.constant 2 : i32
        %mul3A_259 = arith.muli %mul3A_258, %scan3A_236 : i32
        %add3A_260 = arith.constant 1 : i32
        %add3A_261 = arith.addi %mul3A_259, %add3A_260 : i32
        %get3A_262 = arith.constant 3 : i32
        %get3A_263 = arith.index_cast %get3A_262 : i32 to index
        %get3A_264 = arith.index_cast %add3A_261 : i32 to index
        %get3A_265 = arith.constant 0 : index
        %get3A_266 = tpu.vector_load %arg6[%get3A_263, %get3A_264, %get3A_265] {strides = array<i32>} : memref<4x200x32xf32, #tpu.memory_space<vmem>>, vector<1x1x16xf32>,
        %get3A_267 = vector.shape_cast %get3A_266 : vector<1x1x16xf32> to vector<16xf32>
        %add3A_268 = arith.addf %scan3A_239, %get3A_267 : vector<16xf32>
        %mul3A_269 = arith.constant 2 : i32
        %mul3A_270 = arith.muli %mul3A_269, %scan3A_236 : i32
        %add3A_271 = arith.constant 1 : i32
        %add3A_272 = arith.addi %mul3A_270, %add3A_271 : i32
        %get3A_273 = arith.constant 3 : i32
        %get3A_274 = arith.index_cast %get3A_273 : i32 to index
        %get3A_275 = arith.index_cast %add3A_272 : i32 to index
        %get3A_276 = arith.constant 16 : index
        %get3A_277 = tpu.vector_load %arg6[%get3A_274, %get3A_275, %get3A_276] {strides = array<i32>} : memref<4x200x32xf32, #tpu.memory_space<vmem>>, vector<1x1x16xf32>,
        %get3A_278 = vector.shape_cast %get3A_277 : vector<1x1x16xf32> to vector<16xf32>
        %add3A_279 = arith.addf %scan3A_240, %get3A_278 : vector<16xf32>
        %scan3A_280 = arith.constant 1 : i32
        %scan3A_281 = arith.addi %scan3A_236, %scan3A_280 : i32
        %mul3A_282 = arith.constant 2 : i32
        %mul3A_283 = arith.muli %mul3A_282, %scan3A_281 : i32
        %get3A_284 = arith.constant 3 : i32
        %get3A_285 = arith.index_cast %get3A_284 : i32 to index
        %get3A_286 = arith.index_cast %mul3A_283 : i32 to index
        %get3A_287 = arith.constant 0 : index
        %get3A_288 = tpu.vector_load %arg6[%get3A_285, %get3A_286, %get3A_287] {strides = array<i32>} : memref<4x200x32xf32, #tpu.memory_space<vmem>>, vector<1x1x16xf32>,
        %get3A_289 = vector.shape_cast %get3A_288 : vector<1x1x16xf32> to vector<16xf32>
        %add3A_290 = arith.addf %add3A_248, %get3A_289 : vector<16xf32>
        %mul3A_291 = arith.constant 2 : i32
        %mul3A_292 = arith.muli %mul3A_291, %scan3A_281 : i32
        %get3A_293 = arith.constant 3 : i32
        %get3A_294 = arith.index_cast %get3A_293 : i32 to index
        %get3A_295 = arith.index_cast %mul3A_292 : i32 to index
        %get3A_296 = arith.constant 16 : index
        %get3A_297 = tpu.vector_load %arg6[%get3A_294, %get3A_295, %get3A_296] {strides = array<i32>} : memref<4x200x32xf32, #tpu.memory_space<vmem>>, vector<1x1x16xf32>,
        %get3A_298 = vector.shape_cast %get3A_297 : vector<1x1x16xf32> to vector<16xf32>
        %add3A_299 = arith.addf %add3A_257, %get3A_298 : vector<16xf32>
        %mul3A_300 = arith.constant 2 : i32
        %mul3A_301 = arith.muli %mul3A_300, %scan3A_281 : i32
        %add3A_302 = arith.constant 1 : i32
        %add3A_303 = arith.addi %mul3A_301, %add3A_302 : i32
        %get3A_304 = arith.constant 3 : i32
        %get3A_305 = arith.index_cast %get3A_304 : i32 to index
        %get3A_306 = arith.index_cast %add3A_303 : i32 to index
        %get3A_307 = arith.constant 0 : index
        %get3A_308 = tpu.vector_load %arg6[%get3A_305, %get3A_306, %get3A_307] {strides = array<i32>} : memref<4x200x32xf32, #tpu.memory_space<vmem>>, vector<1x1x16xf32>,
        %get3A_309 = vector.shape_cast %get3A_308 : vector<1x1x16xf32> to vector<16xf32>
        %add3A_310 = arith.addf %add3A_268, %get3A_309 : vector<16xf32>
        %mul3A_311 = arith.constant 2 : i32
        %mul3A_312 = arith.muli %mul3A_311, %scan3A_281 : i32
        %add3A_313 = arith.constant 1 : i32
        %add3A_314 = arith.addi %mul3A_312, %add3A_313 : i32
        %get3A_315 = arith.constant 3 : i32
        %get3A_316 = arith.index_cast %get3A_315 : i32 to index
        %get3A_317 = arith.index_cast %add3A_314 : i32 to index
        %get3A_318 = arith.constant 16 : index
        %get3A_319 = tpu.vector_load %arg6[%get3A_316, %get3A_317, %get3A_318] {strides = array<i32>} : memref<4x200x32xf32, #tpu.memory_space<vmem>>, vector<1x1x16xf32>,
        %get3A_320 = vector.shape_cast %get3A_319 : vector<1x1x16xf32> to vector<16xf32>
        %add3A_321 = arith.addf %add3A_279, %get3A_320 : vector<16xf32>
        scf.yield %add3A_290, %add3A_299, %add3A_310, %add3A_321 : vector<16xf32>, vector<16xf32>, vector<16xf32>, vector<16xf32>
      }
      %scan3A_223 = arith.constant 100 : i32
      %add3A_224 = arith.addf %scan3A_222#0, %scan3A_222#2 : vector<16xf32>
      %swap3A_225 = arith.index_cast %add3A_196 : i32 to index
      %swap3A_226 = arith.constant 0 : index
      %swap3A_227 = tpu.vector_load %arg7[%swap3A_225, %swap3A_226] {strides = array<i32>} : memref<128x32xf32, #tpu.memory_space<vmem>>, vector<1x16xf32>,
      %swap3A_228 = vector.shape_cast %swap3A_227 : vector<1x16xf32> to vector<16xf32>
      %swap3A_229 = vector.shape_cast %add3A_224 : vector<16xf32> to vector<1x16xf32>
      tpu.vector_store %arg7[%swap3A_225, %swap3A_226], %swap3A_229 {strides = array<i32>} : memref<128x32xf32, #tpu.memory_space<vmem>>, vector<1x16xf32>,
      %add3A_230 = arith.addf %scan3A_222#1, %scan3A_222#3 : vector<16xf32>
      %swap3A_231 = arith.index_cast %add3A_196 : i32 to index
      %swap3A_232 = arith.constant 16 : index
      %swap3A_233 = tpu.vector_load %arg7[%swap3A_231, %swap3A_232] {strides = array<i32>} : memref<128x32xf32, #tpu.memory_space<vmem>>, vector<1x16xf32>,
      %swap3A_234 = vector.shape_cast %swap3A_233 : vector<1x16xf32> to vector<16xf32>
      %swap3A_235 = vector.shape_cast %add3A_230 : vector<16xf32> to vector<1x16xf32>
      tpu.vector_store %arg7[%swap3A_231, %swap3A_232], %swap3A_235 {strides = array<i32>} : memref<128x32xf32, #tpu.memory_space<vmem>>, vector<1x16xf32>,
    }
    %scan3A_67 = arith.constant 32 : i32
    "tpu.region"() ({
      %run_scoped3A = tpu.sem_alloc : memref<!tpu.dma_semaphore, #tpu.memory_space<semaphore_mem>>
      %dma_start3A_68 = arith.constant 0 : i32
      %dma_start3A_69 = tpu.memref_slice %arg4[%mul3A_2, %dma_start3A_68] : memref<4096x32xf32, #tpu.memory_space<hbm>> -> memref<128x32xf32, #tpu.memory_space<hbm>>
      %dma_start3A_70 = arith.constant 0 : i32
      %dma_start3A_71 = tpu.memref_slice %arg4[%mul3A_2, %dma_start3A_70] : memref<4096x32xf32, #tpu.memory_space<hbm>> -> memref<128x32xf32, #tpu.memory_space<hbm>>
      tpu.enqueue_dma source(%arg7 : memref<128x32xf32, #tpu.memory_space<vmem>>) target(%dma_start3A_71 : memref<128x32xf32, #tpu.memory_space<hbm>>) target_semaphore(%run_scoped3A : memref<!tpu.dma_semaphore, #tpu.memory_space<semaphore_mem>>)
      %dma_wait3A = arith.constant 0 : i32
      %dma_wait3A_72 = tpu.memref_slice %arg4[%mul3A_2, %dma_wait3A] : memref<4096x32xf32, #tpu.memory_space<hbm>> -> memref<128x32xf32, #tpu.memory_space<hbm>>
      %dma_wait3A_73 = arith.constant 0 : i32
      %dma_wait3A_74 = tpu.memref_slice %arg4[%mul3A_2, %dma_wait3A_73] : memref<4096x32xf32, #tpu.memory_space<hbm>> -> memref<128x32xf32, #tpu.memory_space<hbm>>
      tpu.wait_dma2 semaphore(%run_scoped3A : memref<!tpu.dma_semaphore, #tpu.memory_space<semaphore_mem>>) src(%arg7 : memref<128x32xf32, #tpu.memory_space<vmem>>) dst(%dma_wait3A_74 : memref<128x32xf32, #tpu.memory_space<hbm>>)
      tpu.yield
    }) : () -> ()
    return
  }
}

module attributes {stable_mosaic.version = 14 : i64} {
  func.func @_tc_head_body(%arg0: i32, %arg1: memref<512x32xf32, #tpu.memory_space<vmem>>, %arg2: memref<1000x32xf32, #tpu.memory_space<vmem>>, %arg3: memref<1000x1xf32, #tpu.memory_space<vmem>>, %arg4: memref<1000x512xf32, #tpu.memory_space<vmem>>) attributes {dimension_semantics = [#tpu.dimension_semantics<arbitrary>], iteration_bounds = array<i64: 8>, scalar_prefetch = 0 : i64, scratch_operands = 0 : i64, tpu.core_type = #tpu.core_type<tc>, window_params = [{transform_indices = @transform_0, window_bounds = array<i64: 512, 32>}, {pipeline_mode = #tpu.pipeline_mode<synchronous>, transform_indices = @transform_1, window_bounds = array<i64: 1000, 32>}, {pipeline_mode = #tpu.pipeline_mode<synchronous>, transform_indices = @transform_2, window_bounds = array<i64: 1000, 1>}, {transform_indices = @transform_3, window_bounds = array<i64: 1000, 512>}]} {
    %get3A = arith.constant 0 : index
    %get3A_0 = arith.constant 0 : index
    %get3A_1 = vector.load %arg1[%get3A, %get3A_0] : memref<512x32xf32, #tpu.memory_space<vmem>>, vector<512x32xf32>
    %mul3A = arith.constant 5.000000e-03 : f32
    %mul3A_2 = vector.broadcast %mul3A : f32 to vector<512x32xf32>
    %mul3A_3 = arith.mulf %get3A_1, %mul3A_2 : vector<512x32xf32>
    %tanh3A = math.tanh %mul3A_3 : vector<512x32xf32>
    %get3A_4 = arith.constant 0 : index
    %get3A_5 = arith.constant 0 : index
    %get3A_6 = vector.load %arg2[%get3A_4, %get3A_5] : memref<1000x32xf32, #tpu.memory_space<vmem>>, vector<1000x32xf32>
    %dot_general3A = arith.constant dense<0.000000e+00> : vector<1000x512xf32>
    %dot_general3A_7 = tpu.matmul %get3A_6, %tanh3A, %dot_general3A {dimension_numbers = #tpu.dot_dimension_numbers<[1], [1], [0], [0], [0, 0, 1, 0], [], []>, transpose_lhs_hint = false} : vector<1000x32xf32>, vector<512x32xf32>, vector<1000x512xf32> -> vector<1000x512xf32>
    %get3A_8 = arith.constant 0 : index
    %get3A_9 = arith.constant 0 : index
    %get3A_10 = vector.load %arg3[%get3A_8, %get3A_9] : memref<1000x1xf32, #tpu.memory_space<vmem>>, vector<1000x1xf32>
    %add3A = vector.broadcast %get3A_10 : vector<1000x1xf32> to vector<1000x512xf32>
    %add3A_11 = arith.addf %dot_general3A_7, %add3A : vector<1000x512xf32>
    %swap3A = arith.constant 0 : index
    %swap3A_12 = arith.constant 0 : index
    %swap3A_13 = vector.load %arg4[%swap3A, %swap3A_12] : memref<1000x512xf32, #tpu.memory_space<vmem>>, vector<1000x512xf32>
    tpu.vector_store %arg4[%swap3A, %swap3A_12], %add3A_11 {strides = array<i32>} : memref<1000x512xf32, #tpu.memory_space<vmem>>, vector<1000x512xf32>,
    return
  }
  func.func @transform_0(%arg0: i32) -> (i32, i32) {
    %c0_i32 = arith.constant 0 : i32
    %c0_i32_0 = arith.constant 0 : i32
    return %arg0, %c0_i32 : i32, i32
  }
  func.func @transform_1(%arg0: i32) -> (i32, i32) {
    %c0_i32 = arith.constant 0 : i32
    %c0_i32_0 = arith.constant 0 : i32
    %c0_i32_1 = arith.constant 0 : i32
    return %c0_i32, %c0_i32_0 : i32, i32
  }
  func.func @transform_2(%arg0: i32) -> (i32, i32) {
    %c0_i32 = arith.constant 0 : i32
    %c0_i32_0 = arith.constant 0 : i32
    %c0_i32_1 = arith.constant 0 : i32
    return %c0_i32, %c0_i32_0 : i32, i32
  }
  func.func @transform_3(%arg0: i32) -> (i32, i32) {
    %c0_i32 = arith.constant 0 : i32
    %c0_i32_0 = arith.constant 0 : i32
    return %c0_i32, %arg0 : i32, i32
  }
}

</mosaic_0001>

<sc_bundles>
// kernel: kernel.4.cloned.1.call-start
scs
__scs_entry_jumppad:
0x0: {  	(pc) =	sbr.rel $0x88, $3  }
0x1: {  	(tag) =	ssettag $0x0;
	lr =	simm.s32 $0x1  }
0x2: {  	[smem:$0x3F9D] =	sst lr;
	_ =	strace $0xD0000000  }
0x3: {  	_ = 	snop  }
0x4: {  	_ = 	snop  }
0x5: {  	_ = 	snop  }
0x6: {  	_ = 	snop  }
0x7: {  	_ = 	snop  }
__scs_overlays_trampoline_lowered:
0x8: {  	[smem:$0x3FAC] =	sst s0  }
0x9: {  	[smem:$0x3FAD] =	sst s1  }
0xa: {  	[smem:$0x3FAE] =	sst s2  }
0xb: {  	[smem:$0x3FAF] =	sst s3  }
0xc: {  	[smem:$0x3FB0] =	sst s4  }
0xd: {  	[smem:$0x3FB1] =	sst s5  }
0xe: {  	[smem:$0x3FB2] =	sst s6  }
0xf: {  	[smem:$0x3FB3] =	sst s7  }
0x10: {  	[smem:$0x3FB4] =	sst s8  }
0x11: {  	[smem:$0x3FB5] =	sst s9;
	s0 =	simm.s32 @!p0 $0x0  }
0x12: {  	s1 =	sld [smem:$0x3F9B];
	s0 =	simm.s32 @p0 $0x1  }
0x13: {  	[smem:$0x3FB6] =	sst s0;
	s0 =	simm.s32 @!p1 $0x0  }
0x14: {  	s2 =	sld [smem:$0x3F9A];
	s0 =	simm.s32 @p1 $0x1  }
0x15: {  	[smem:$0x3FB7] =	sst s0;
	s0 =	simm.s32 @!p2 $0x0  }
0x16: {  	s3 =	sld [smem:$0x3FDB];
	s0 =	simm.s32 @p2 $0x1  }
0x17: {  	s4 =	simm.s32 $0x1BF5;
	[smem:$0x3FB9] =	sst s0  }
0x18: {  	s0 =	sld [smem:$0x3F9C];
	_ =	swait.ge [sflag:s4], $0x0  }
0x19: {  	s7 =	sld [smem:$0x3F9D]  }
0x1a: {  	s8 =	sadd.s32 $0xFFFFE003, lr  }
0x1b: {  	s9 =	sadd.s32 $0xFFFFFEF7, lr;
	s5 =	simm.s32 $0xFFFFFFFF;
	p2 =	slt.u32 s8, $0xFFFFF086  }
0x1c: {  	p1 =	slt.u32 s9, $0xF7A;
	s5 =	simm.s32 @!p2 $0x0  }
0x1d: {  	s5 =	simm.s32 @p1 $0x1;
	p0 =	seq.s32 s7, s2  }
0x1e: {  	s7 =	smul.u32 @!p0 $0xF7A, s2;
	p2 =	seq.s32 @!p0 s5, $0x0  }
0x1f: {  	s9 =	smul.u32 $0xF7A, s1;
	s8 =	simm.s32 @!p0 $0x1BF5;
	p2 =	por !p2, p0  }
0x20: {  	[sflag:s8] =	ssyncset.s32 @!p0 $0xFFFFF086;
	s6 =	sadd.s32 @!p0 s3, s7;
	s7 =	simm.s32 @!p0 $0x108  }
0x21: {  	s3 =	sadd.s32 s3, s9;
	s6 =	sadd.s32 @!p0 $0x88, s6;
	s7 =	simm.s32 @p2 $0x1082  }
0x22: {  	[simem:s7], [sflag:s8] =	dma.local @!p0 [hbm:s6], $0xF7A  }
0x23: {  	s9 =	sor.u32 $0xD0000000, s2;
	s6 =	simm.s32 $0x108;
	_ =	swait.ge @!p0 [sflag:s8], $0x0  }
0x24: {  	s3 =	sadd.s32 $0x88, s3;
	s6 =	simm.s32 @!p1 $0x1082;
	[sflag:s4] =	ssyncset.s32 $0xFFFFF086  }
0x25: {  	[simem:s6], [sflag:s4] =	dma.local [hbm:s3], $0xF7A  }
0x26: {  	[smem:$0x3F9D] =	sst s1;
	(tag) =	ssettag s2;
	_ =	strace s9  }
0x27: {  	s1 =	sld [smem:$0x3FAD]  }
0x28: {  	s2 =	sld [smem:$0x3FAE]  }
0x29: {  	s4 =	sld [smem:$0x3FB0]  }
0x2a: {  	p0 =	seq.s32 s5, $0x0;
	s5 =	sld [smem:$0x3FB1]  }
0x2b: {  	s6 =	sld [smem:$0x3FB2]  }
0x2c: {  	s7 =	sld [smem:$0x3FB3]  }
0x2d: {  	s3 =	simm.s32 $0x108;
	s8 =	sld [smem:$0x3FB4]  }
0x2e: {  	s3 =	simm.s32 @!p0 $0x1082;
	s9 =	sld [smem:$0x3FB5]  }
0x2f: {  	lr =	sadd.s32 s0, s3;
	s0 =	sld [smem:$0x3FAC]  }
0x30: {  	s3 =	sld [smem:$0x3FAF]  }
0x31: {  	[smem:$0x3FB8] =	sst s10  }
0x32: {  	s10 =	sld [smem:$0x3FB6];
	_ =	sdelay $0x3  }
0x33: {  	p0 =	seq.s32 s10, $0x1;
	s10 =	sld [smem:$0x3FB8];
	_ =	sdelay $0x3  }
0x34: {  	[smem:$0x3FB8] =	sst s10  }
0x35: {  	s10 =	sld [smem:$0x3FB7];
	_ =	sdelay $0x3  }
0x36: {  	p1 =	seq.s32 s10, $0x1;
	s10 =	sld [smem:$0x3FB8];
	_ =	sdelay $0x3  }
0x37: {  	[smem:$0x3FB8] =	sst s10  }
0x38: {  	s10 =	sld [smem:$0x3FB9]  }
0x39: {  	_ = 	snop;
	(pc) =	sbr.ind lr, $3  }
0x3a: {  	_ = 	snop  }
0x3b: {  	_ = 	snop  }
0x3c: {  	p2 =	seq.s32 s10, $0x1;
	s10 =	sld [smem:$0x3FB8]  }
0x3d: {  	_ =	shalt  }
0x3e: {  	_ =	shalt  }
0x3f: {  	_ =	shalt  }
0x40: {  	_ =	shalt  }
0x41: {  	_ =	shalt  }
0x42: {  	_ =	shalt  }
0x43: {  	_ =	shalt  }
0x44: {  	_ =	shalt  }
0x45: {  	_ =	shalt  }
0x46: {  	_ =	shalt  }
0x47: {  	_ =	shalt  }
0x48: {  	_ =	shalt  }
0x49: {  	_ =	shalt  }
0x4a: {  	_ =	shalt  }
0x4b: {  	_ =	shalt  }
0x4c: {  	_ =	shalt  }
0x4d: {  	_ =	shalt  }
0x4e: {  	_ =	shalt  }
0x4f: {  	_ =	shalt  }
0x50: {  	_ =	shalt  }
0x51: {  	_ =	shalt  }
0x52: {  	_ =	shalt  }
0x53: {  	_ =	shalt  }
0x54: {  	_ =	shalt  }
0x55: {  	_ =	shalt  }
0x56: {  	_ =	shalt  }
0x57: {  	_ =	shalt  }
0x58: {  	_ =	shalt  }
0x59: {  	_ =	shalt  }
0x5a: {  	_ =	shalt  }
0x5b: {  	_ =	shalt  }
0x5c: {  	_ =	shalt  }
0x5d: {  	_ =	shalt  }
0x5e: {  	_ =	shalt  }
0x5f: {  	_ =	shalt  }
0x60: {  	_ =	shalt  }
0x61: {  	_ =	shalt  }
0x62: {  	_ =	shalt  }
0x63: {  	_ =	shalt  }
0x64: {  	_ =	shalt  }
0x65: {  	_ =	shalt  }
0x66: {  	_ =	shalt  }
0x67: {  	_ =	shalt  }
0x68: {  	_ =	shalt  }
0x69: {  	_ =	shalt  }
0x6a: {  	_ =	shalt  }
0x6b: {  	_ =	shalt  }
0x6c: {  	_ =	shalt  }
0x6d: {  	_ =	shalt  }
0x6e: {  	_ =	shalt  }
0x6f: {  	_ =	shalt  }
0x70: {  	_ =	shalt  }
0x71: {  	_ =	shalt  }
0x72: {  	_ =	shalt  }
0x73: {  	_ =	shalt  }
0x74: {  	_ =	shalt  }
0x75: {  	_ =	shalt  }
0x76: {  	_ =	shalt  }
0x77: {  	_ =	shalt  }
0x78: {  	_ =	shalt  }
0x79: {  	_ =	shalt  }
0x7a: {  	_ =	shalt  }
0x7b: {  	_ =	shalt  }
0x7c: {  	_ =	shalt  }
0x7d: {  	_ =	shalt  }
0x7e: {  	_ =	shalt  }
0x7f: {  	_ =	shalt  }
0x80: {  	_ =	shalt  }
0x81: {  	_ =	shalt  }
0x82: {  	_ =	shalt  }
0x83: {  	_ =	shalt  }
0x84: {  	_ =	shalt  }
0x85: {  	_ =	shalt  }
0x86: {  	_ =	shalt  }
0x87: {  	_ =	shalt  }
.Lfunc_end0:
.L_simem_size_0:
called_computation_lowered:
.L_overlay_start_0:
0x88: {  	s2 =	sld [smem:$0x3FD9]  }
0x89: {  	s3 =	sld [smem:$0x3FFE];
	_ =	sdelay $0x1  }
0x8a: {  	s1 =	srdreg.scid  }
0x8b: {  	s0 =	sand.u32 $0x1, s1  }
0x8c: {  	s17 =	sshll.u32 s0, $0xA;
	s2 =	sadd.s32 s3, s2  }
0x8d: {  	s2 =	sadd.s32 s2, s17  }
0x8e: {  	[smem:$0x3FC4] =	sst s2  }
0x8f: {  	_ = 	snop  }
0x90: {  	s2 =	sld [smem:$0x3FD0];
	(tm) =	ssettm $0x1  }
0x91: {  	s18 =	sld [smem:$0x3FFB];
	_ =	sdelay $0x3  }
0x92: {  	_ =	strace s18  }
0x93: {  	s3 =	sld [smem:$0x3FFC];
	_ =	sdelay $0x3  }
0x94: {  	_ =	strace s3  }
0x95: {  	s3 =	sld [smem:$0x3FFD];
	_ =	sdelay $0x3  }
0x96: {  	_ =	strace s3  }
0x97: {  	_ =	strace $0x8FFFFFFF  }
0x98: {  	s19 =	sld [smem:$0x3FDB];
	_ =	sdelay $0x1  }
0x99: {  	s4 =	simm.s32 $_scs_section_size  }
0x9a: {  	s5 =	simm.s32 $_size__tile_overlayer_lowered;
	s6 =	simm.s32 $_tile_overlayer_lowered  }
0x9b: {  	s22 =	simm.s32 $0x1BFF;
	s21 =	sshll.u32 s6, $0x1;
	s3 =	sadd.s32 s4, s19  }
0x9c: {  	s7 =	simm.s32 $0x0;
	s20 =	sshll.u32 s5, $0x1;
	s5 =	sadd.s32 s21, s3  }
0x9d: {  	[timem:s7], [sflag:s22] =	dma.local [hbm:s5], s20  }
0x9e: {  	_ =	swait.ge [sflag:s22], s20  }
0x9f: {  	s4 =	ssub.s32 $0x0, s20;
	[sflag:s22] =	ssyncset.done $0x0  }
0xa0: {  	[sflag:s22] =	ssyncadd.s32 s4;
	_ =	sdelay $0x1  }
0xa1: {  	s23 =	simm.s32 $0x1B8B  }
0xa2: {  	_ =	swait.ge [sflag:s23], $0x1  }
0xa3: {  	[sflag:s23] =	ssyncset.done $0x0  }
0xa4: {  	s25 =	simm.s32 $0x1B8E;
	s24 =	sld [smem:$0x3FFE];
	[sflag:s23] =	ssyncadd.s32 $0xFFFFFFFF  }
0xa5: {  	s26 =	simm.s32 $execute0_lowered;
	[smem:$0x3FD2] =	sst s25  }
0xa6: {  	s5 =	sshll.u32 s26, $0x1;
	_ =	strace $0x80000046;
	[dreg:$0x1] =	wrdreg $0xFFFFFFFF  }
0xa7: {  	s28 =	simm.s32 $_size_execute0_lowered;
	s3 =	sadd.s32 s3, s5;
	[dreg:$0x0] =	wrdreg $0x0  }
0xa8: {  	s5 =	sshll.u32 s28, $0x1;
	[dreg:$0x2] =	wrdreg s3  }
0xa9: {  	[dreg:$0x3] =	wrdreg s5  }
0xaa: {  	[dreg:$0x4] =	wrdreg $0xC0  }
0xab: {  	_ =	task [dreg:s7], $0x5FFFF  }
0xac: {  	[dreg:$0x1] =	wrdreg $0xFFFFFFFF  }
0xad: {  	[dreg:$0x0] =	wrdreg $0x60  }
0xae: {  	[dreg:$0x2] =	wrdreg s2  }
0xaf: {  	[dreg:$0x3] =	wrdreg s24  }
0xb0: {  	[dreg:$0x4] =	wrdreg $0x9  }
0xb1: {  	_ =	task.clear_ibuf [dreg:s7], $0x5FFFF;
	_ =	strace $0x90000046  }
0xb2: {  	s29 =	simm.s32 $0x9;
	_ =	strace $0x80000048  }
0xb3: {  	_ =	swait.ge [sflag:s29], $0x1  }
0xb4: {  	[sflag:s29] =	ssyncadd.s32 $0xFFFFFFFF  }
0xb5: {  	_ =	strace $0x90000048  }
0xb6: {  	_ =	sfence  }
0xb7: {  	s30 =	sld [smem:$0x0];
	_ =	sdelay $0x2  }
0xb8: {  	s31 =	sshll.u32 s1, $0xD;
	s1 =	sshrl.u32 s1, $0x2  }
0xb9: {  	s3 =	sand.u32 $0x4000, s31;
	s1 =	sadd.s32 s1, s30  }
0xba: {  	s0 =	sor.u32 s3, s0;
	s1 =	sshll.u32 s1, $0x11  }
0xbb: {  	s0 =	sor.u32 s1, s0  }
0xbc: {  	s0 =	sadd.s32 $0x8F2B, s0  }
0xbd: {  	[sflag:s0] =	ssyncadd.remote.s32 $0x1  }
0xbe: {  	_ =	sfence.sel $0xFFFF  }
0xbf: {  	[dreg:$0x0] =	wrdreg $0xFFFFFFFF;
	(pc) =	sbr.abs _section_cstart, $3  }
0xc0: {  	[dreg:$0x1] =	wrdreg $0xFFFFFFFF  }
0xc1: {  	_ =	task.clear_ibuf [dreg:s7], $0x2FFFF;
	_ =	strace $0x9FFFFFFF  }
0xc2: {  	(tm) =	ssettm $0x7FFFFFFF  }
0xc3: {  	_ =	shalt  }
tec
execute0_lowered:
.L_overlay_start_1:
0x0: {  	(tag) =	ssettag $0x1  }
0x1: {  	s4 =	rddreg [dreg:$0x0]  }
0x2: {  	s5 =	rddreg [dreg:$0x1]  }
0x3: {  	s0 =	rddreg [dreg:$0x2]  }
0x4: {  	s3 =	srdreg.scid;
	s2 =	simm.s32 $0x0;
	s1 =	stileid.u32  }
0x5: {  	s9 =	simm.s32 $0x6400;
	s10 =	simm.s32 $0x7D00;
	s11 =	simm.s32 $0x190  }
0x6: {  	s12 =	simm.s32 $0x9600;
	s13 =	simm.s32 $0x258;
	s14 =	simm.s32 $0xAF00  }
0x7: {  	s15 =	simm.s32 $0x1;
	s16 =	simm.s32 $0x2;
	s17 =	simm.s32 $0x3  }
0x8: {  	s18 =	simm.s32 $0x4;
	s19 =	simm.s32 $0xC800;
	s3 =	sand.u32 $0x1, s3  }
0x9: {  	[smem:$0x7FF] =	sst s2;
	s6 =	sshll.u32 s1, $0x8;
	s7 =	sshll.u32 s3, $0x7  }
0xa: {  	s20 =	simm.s32 $0x0;
	_ =	strace $0x80000047;
	s6 =	sor.u32 s7, s6  }
0xb: {  	s8 =	ssub.s32 $0x2, s3;
	s7 =	sshll.u32 s6, $0x2;
	s6 =	smul.u32 $0x19, s6  }
0xc: {  	s3 =	sadd.s32 $0xF42E00, s5;
	s31 =	sshrl.u32 s8, $0x1;
	s5 =	sadd.s32 s7, s5  }
0xd: {  	s7 =	ssub.s32 s8, s31;
	s8 =	simm.s32 $0xC8;
	s4 =	sadd.s32 s4, s6  }
0xe: {  	s5 =	sadd.s32 $0xA00, s5;
	s6 =	smax.u32 s7, $0x1;
	s7 =	simm.s32 $0x5  }
.LBB2_1:
0xf: {  	[tilespmem:s2], [sflag:$0x5] =	stream.linear.gather [hbm4b:s4+s2], $0x6400, $0x38;
	[tilespmem:$0xD800] =	vst v63  }
0x10: {  	_ =	swait.ge [sflag:s7], $0x6400  }
0x11: {  	[sflag:s7] =	ssyncset.done $0x0  }
0x12: {  	[sflag:s7] =	ssyncadd.s32 $0xFFFF9C00  }
0x13: {  	[tilespmem:s9], [sflag:$0x1] =	stream.indirect.gather [hbm4b:s3+s8], $0x20, s2, s8, $0xb8;
	[tilespmem:$0xD800] =	vst v63  }
0x14: {  	_ = 	snop  }
0x15: {  	[tilespmem:s10], [sflag:$0x2] =	stream.indirect.gather [hbm4b:s3+s8], $0x20, s8, s8, $0xb8;
	[tilespmem:$0xD800] =	vst v63  }
0x16: {  	_ = 	snop  }
0x17: {  	[tilespmem:s12], [sflag:$0x3] =	stream.indirect.gather [hbm4b:s3+s8], $0x20, s11, s8, $0xb8;
	[tilespmem:$0xD800] =	vst v63  }
0x18: {  	s21 =	simm.s32 $0x0  }
0x19: {  	[tilespmem:s14], [sflag:$0x4] =	stream.indirect.gather [hbm4b:s3+s8], $0x20, s13, s8, $0xb8;
	[tilespmem:$0xD800] =	vst v63  }
.LBB2_2:
0x1a: {  	p0 =	seq.s32 s21, $0x1F  }
0x1b: {  	s22 =	smul.u32 @!p0 $0xC80, s21  }
0x1c: {  	_ =	swait.ge [sflag:s15], $0x1900;
	s31 =	simm.s32 $0x6440  }
0x1d: {  	[sflag:s15] =	ssyncset.done $0x0;
	s24 =	simm.s32 @!p0 $0xC8;
	s23 =	sshra.s32 @!p0 s22, $0x2  }
0x1e: {  	s25 =	simm.s32 @!p0 $0x6400;
	[sflag:s15] =	ssyncadd.s32 $0xFFFFE700;
	s22 =	sadd.s32 @!p0 $0x320, s23  }
0x1f: {  	[tilespmem:s25], [sflag:$0x1] =	stream.indirect.gather @!p0 [hbm4b:s3+s24], $0x20, s22, s24, $0xb8;
	[tilespmem:$0xD800] =	vst v63  }
0x20: {  	v0 =	vld [tilespmem:s31+$0x0]  }
0x21: {  	v2 =	vld [tilespmem:s31+$0x10]  }
0x22: {  	v1 =	vld [tilespmem:s31+$0xFFFFFFC0]  }
0x23: {  	v3 =	vld [tilespmem:s31+$0xFFFFFFD0]  }
0x24: {  	v5 =	vld [tilespmem:s31+$0xFFFFFFE0]  }
0x25: {  	v6 =	vld [tilespmem:s31+$0xFFFFFFF0]  }
0x26: {  	v8 =	vimm.f32 $0.0e+00;
	v4 =	vld [tilespmem:s31+$0x20]  }
0x27: {  	v9 =	vimm.f32 $0.0e+00;
	v11 =	vimm.f32 $0.0e+00;
	v10 =	vimm.f32 $0.0e+00;
	s22 =	simm.s32 $0x0;
	s24 =	simm.s32 $0x64C0;
	v7 =	vld [tilespmem:s31+$0x30]  }
.LBB2_3:
0x28: {  	v12 =	vld [tilespmem:s24+$0x0]  }
0x29: {  	v8 =	vadd.f32 v1, v8;
	v9 =	vadd.f32 v3, v9;
	s22 =	sadd.s32 $0x2, s22;
	v13 =	vld [tilespmem:s24+$0x10]  }
0x2a: {  	v11 =	vadd.f32 v5, v11;
	p1 =	slt.u32 s22, $0x62;
	v1 =	vld [tilespmem:s24+$0xFFFFFFC0];
	v6 =	vadd.f32 v6, v10  }
.Ltmp0:
0x2b: {  	v8 =	vadd.f32 v0, v8;
	v9 =	vadd.f32 v2, v9;
	v3 =	vld [tilespmem:s24+$0xFFFFFFD0];
	(pc) =	sbr.rel @p1 .LBB2_3-.Ltmp0, $4  }
0x2c: {  	v11 =	vadd.f32 v4, v11;
	v5 =	vld [tilespmem:s24+$0xFFFFFFE0];
	v10 =	vadd.f32 v7, v6  }
0x2d: {  	v6 =	vld [tilespmem:s24+$0xFFFFFFF0];
	v0 =	vmov v12  }
0x2e: {  	v4 =	vld [tilespmem:s24+$0x20];
	v2 =	vmov v13  }
0x2f: {  	v7 =	vld [tilespmem:s24+$0x30];
	s24 =	sadd.s32 $0x80, s24  }
0x30: {  	_ = 	snop  }
0x31: {  	v1 =	vadd.f32 v1, v8;
	v5 =	vadd.f32 v5, v11  }
0x32: {  	v3 =	vadd.f32 v3, v9;
	v6 =	vadd.f32 v6, v10  }
0x33: {  	v0 =	vadd.f32 v0, v1;
	v1 =	vadd.f32 v4, v5  }
0x34: {  	v2 =	vadd.f32 v2, v3;
	v3 =	vadd.f32 v7, v6  }
0x35: {  	s22 =	sshll.u32 s21, $0x7;
	v0 =	vadd.f32 v1, v0  }
0x36: {  	s22 =	sand.u32 $0x3FFFFF80, s22;
	v1 =	vadd.f32 v3, v2  }
0x37: {  	[tilespmem:s22+$0xC800] =	vst v0  }
0x38: {  	[tilespmem:s22+$0xC810] =	vst v1  }
0x39: {  	_ =	swait.ge [sflag:s16], $0x1900  }
0x3a: {  	s24 =	sadd.s32 @!p0 $0x3E8, s23;
	s25 =	simm.s32 @!p0 $0xC8;
	[sflag:s16] =	ssyncset.done $0x0  }
0x3b: {  	s26 =	simm.s32 @!p0 $0x7D00;
	s31 =	simm.s32 $0x7D70;
	[sflag:s16] =	ssyncadd.s32 $0xFFFFE700  }
0x3c: {  	[tilespmem:s26], [sflag:$0x2] =	stream.indirect.gather @!p0 [hbm4b:s3+s25], $0x20, s24, s25, $0xb8;
	[tilespmem:$0xD800] =	vst v63  }
0x3d: {  	v0 =	vld [tilespmem:s31+$0xFFFFFFD0]  }
0x3e: {  	v2 =	vld [tilespmem:s31+$0xFFFFFFE0]  }
0x3f: {  	v1 =	vld [tilespmem:s31+$0xFFFFFF90]  }
0x40: {  	v3 =	vld [tilespmem:s31+$0xFFFFFFA0]  }
0x41: {  	v5 =	vld [tilespmem:s31+$0xFFFFFFB0]  }
0x42: {  	v6 =	vld [tilespmem:s31+$0xFFFFFFC0]  }
0x43: {  	v8 =	vimm.f32 $0.0e+00;
	v4 =	vld [tilespmem:s31+$0xFFFFFFF0]  }
0x44: {  	v9 =	vimm.f32 $0.0e+00;
	v11 =	vimm.f32 $0.0e+00;
	v10 =	vimm.f32 $0.0e+00;
	s24 =	simm.s32 $0x0;
	s25 =	simm.s32 $0x7DF0;
	v7 =	vld [tilespmem:s31+$0x0]  }
.LBB2_5:
0x45: {  	v12 =	vld [tilespmem:s25+$0xFFFFFFD0]  }
0x46: {  	v8 =	vadd.f32 v1, v8;
	v9 =	vadd.f32 v3, v9;
	s24 =	sadd.s32 $0x2, s24;
	v13 =	vld [tilespmem:s25+$0xFFFFFFE0]  }
0x47: {  	v11 =	vadd.f32 v5, v11;
	p1 =	slt.u32 s24, $0x62;
	v1 =	vld [tilespmem:s25+$0xFFFFFF90];
	v6 =	vadd.f32 v6, v10  }
.Ltmp1:
0x48: {  	v8 =	vadd.f32 v0, v8;
	v9 =	vadd.f32 v2, v9;
	v3 =	vld [tilespmem:s25+$0xFFFFFFA0];
	(pc) =	sbr.rel @p1 .LBB2_5-.Ltmp1, $4  }
0x49: {  	v11 =	vadd.f32 v4, v11;
	v5 =	vld [tilespmem:s25+$0xFFFFFFB0];
	v10 =	vadd.f32 v7, v6  }
0x4a: {  	v6 =	vld [tilespmem:s25+$0xFFFFFFC0];
	v0 =	vmov v12  }
0x4b: {  	v4 =	vld [tilespmem:s25+$0xFFFFFFF0];
	v2 =	vmov v13  }
0x4c: {  	v7 =	vld [tilespmem:s25+$0x0];
	s25 =	sadd.s32 $0x80, s25  }
0x4d: {  	_ = 	snop  }
0x4e: {  	v1 =	vadd.f32 v1, v8;
	v5 =	vadd.f32 v5, v11  }
0x4f: {  	v3 =	vadd.f32 v3, v9;
	v6 =	vadd.f32 v6, v10  }
0x50: {  	v0 =	vadd.f32 v0, v1;
	v1 =	vadd.f32 v4, v5  }
0x51: {  	v2 =	vadd.f32 v2, v3;
	v3 =	vadd.f32 v7, v6  }
0x52: {  	v0 =	vadd.f32 v1, v0  }
0x53: {  	v1 =	vadd.f32 v3, v2  }
0x54: {  	[tilespmem:s22+$0xC820] =	vst v0  }
0x55: {  	[tilespmem:s22+$0xC830] =	vst v1  }
0x56: {  	_ =	swait.ge [sflag:s17], $0x1900  }
0x57: {  	s24 =	sadd.s32 @!p0 $0x4B0, s23;
	s25 =	simm.s32 @!p0 $0xC8;
	[sflag:s17] =	ssyncset.done $0x0  }
0x58: {  	s26 =	simm.s32 @!p0 $0x9600;
	s31 =	simm.s32 $0x9670;
	[sflag:s17] =	ssyncadd.s32 $0xFFFFE700  }
0x59: {  	[tilespmem:s26], [sflag:$0x3] =	stream.indirect.gather @!p0 [hbm4b:s3+s25], $0x20, s24, s25, $0xb8;
	[tilespmem:$0xD800] =	vst v63  }
0x5a: {  	v0 =	vld [tilespmem:s31+$0xFFFFFFD0]  }
0x5b: {  	v2 =	vld [tilespmem:s31+$0xFFFFFFE0]  }
0x5c: {  	v1 =	vld [tilespmem:s31+$0xFFFFFF90]  }
0x5d: {  	v3 =	vld [tilespmem:s31+$0xFFFFFFA0]  }
0x5e: {  	v5 =	vld [tilespmem:s31+$0xFFFFFFB0]  }
0x5f: {  	v6 =	vld [tilespmem:s31+$0xFFFFFFC0]  }
0x60: {  	v8 =	vimm.f32 $0.0e+00;
	v4 =	vld [tilespmem:s31+$0xFFFFFFF0]  }
0x61: {  	v9 =	vimm.f32 $0.0e+00;
	v11 =	vimm.f32 $0.0e+00;
	v10 =	vimm.f32 $0.0e+00;
	s24 =	simm.s32 $0x0;
	s25 =	simm.s32 $0x96F0;
	v7 =	vld [tilespmem:s31+$0x0]  }
.LBB2_7:
0x62: {  	v12 =	vld [tilespmem:s25+$0xFFFFFFD0]  }
0x63: {  	v8 =	vadd.f32 v1, v8;
	v9 =	vadd.f32 v3, v9;
	s24 =	sadd.s32 $0x2, s24;
	v13 =	vld [tilespmem:s25+$0xFFFFFFE0]  }
0x64: {  	v11 =	vadd.f32 v5, v11;
	p1 =	slt.u32 s24, $0x62;
	v1 =	vld [tilespmem:s25+$0xFFFFFF90];
	v6 =	vadd.f32 v6, v10  }
.Ltmp2:
0x65: {  	v8 =	vadd.f32 v0, v8;
	v9 =	vadd.f32 v2, v9;
	v3 =	vld [tilespmem:s25+$0xFFFFFFA0];
	(pc) =	sbr.rel @p1 .LBB2_7-.Ltmp2, $4  }
0x66: {  	v11 =	vadd.f32 v4, v11;
	v5 =	vld [tilespmem:s25+$0xFFFFFFB0];
	v10 =	vadd.f32 v7, v6  }
0x67: {  	v6 =	vld [tilespmem:s25+$0xFFFFFFC0];
	v0 =	vmov v12  }
0x68: {  	v4 =	vld [tilespmem:s25+$0xFFFFFFF0];
	v2 =	vmov v13  }
0x69: {  	v7 =	vld [tilespmem:s25+$0x0];
	s25 =	sadd.s32 $0x80, s25  }
0x6a: {  	_ = 	snop  }
0x6b: {  	v1 =	vadd.f32 v1, v8;
	v5 =	vadd.f32 v5, v11  }
0x6c: {  	v3 =	vadd.f32 v3, v9;
	v6 =	vadd.f32 v6, v10  }
0x6d: {  	v0 =	vadd.f32 v0, v1;
	v1 =	vadd.f32 v4, v5  }
0x6e: {  	v2 =	vadd.f32 v2, v3;
	v3 =	vadd.f32 v7, v6  }
0x6f: {  	v0 =	vadd.f32 v1, v0  }
0x70: {  	v1 =	vadd.f32 v3, v2  }
0x71: {  	[tilespmem:s22+$0xC840] =	vst v0  }
0x72: {  	[tilespmem:s22+$0xC850] =	vst v1  }
0x73: {  	_ =	swait.ge [sflag:s18], $0x1900  }
0x74: {  	s23 =	sadd.s32 @!p0 $0x578, s23;
	s24 =	simm.s32 @!p0 $0xC8;
	[sflag:s18] =	ssyncset.done $0x0  }
0x75: {  	s25 =	simm.s32 @!p0 $0xAF00;
	s31 =	simm.s32 $0xAF00;
	[sflag:s18] =	ssyncadd.s32 $0xFFFFE700  }
0x76: {  	[tilespmem:s25], [sflag:$0x4] =	stream.indirect.gather @!p0 [hbm4b:s3+s24], $0x20, s23, s24, $0xb8;
	[tilespmem:$0xD800] =	vst v63  }
0x77: {  	v0 =	vld [tilespmem:s31+$0x40]  }
0x78: {  	v2 =	vld [tilespmem:s31+$0x50]  }
0x79: {  	v1 =	vld [tilespmem:s31+$0x0]  }
0x7a: {  	v3 =	vld [tilespmem:s31+$0x10]  }
0x7b: {  	v5 =	vld [tilespmem:s31+$0x20]  }
0x7c: {  	v6 =	vld [tilespmem:s31+$0x30]  }
0x7d: {  	v8 =	vimm.f32 $0.0e+00;
	v4 =	vld [tilespmem:s31+$0x60]  }
0x7e: {  	v9 =	vimm.f32 $0.0e+00;
	v11 =	vimm.f32 $0.0e+00;
	v10 =	vimm.f32 $0.0e+00;
	s23 =	simm.s32 $0x0;
	s24 =	simm.s32 $0xAF80;
	v7 =	vld [tilespmem:s31+$0x70]  }
.LBB2_9:
0x7f: {  	v12 =	vld [tilespmem:s24+$0x40]  }
0x80: {  	v8 =	vadd.f32 v1, v8;
	v9 =	vadd.f32 v3, v9;
	s23 =	sadd.s32 $0x2, s23;
	v13 =	vld [tilespmem:s24+$0x50]  }
0x81: {  	v11 =	vadd.f32 v5, v11;
	p0 =	slt.u32 s23, $0x62;
	v1 =	vld [tilespmem:s24+$0x0];
	v6 =	vadd.f32 v6, v10  }
.Ltmp3:
0x82: {  	v8 =	vadd.f32 v0, v8;
	v9 =	vadd.f32 v2, v9;
	v3 =	vld [tilespmem:s24+$0x10];
	(pc) =	sbr.rel @p0 .LBB2_9-.Ltmp3, $4  }
0x83: {  	v11 =	vadd.f32 v4, v11;
	v5 =	vld [tilespmem:s24+$0x20];
	v10 =	vadd.f32 v7, v6  }
0x84: {  	v6 =	vld [tilespmem:s24+$0x30];
	v0 =	vmov v12  }
0x85: {  	v4 =	vld [tilespmem:s24+$0x60];
	v2 =	vmov v13  }
0x86: {  	v7 =	vld [tilespmem:s24+$0x70];
	s24 =	sadd.s32 $0x80, s24  }
0x87: {  	_ = 	snop  }
0x88: {  	v1 =	vadd.f32 v1, v8;
	v5 =	vadd.f32 v5, v11  }
0x89: {  	v3 =	vadd.f32 v3, v9;
	s21 =	sadd.s32 $0x1, s21;
	v6 =	vadd.f32 v6, v10  }
0x8a: {  	p0 =	sne.s32 s21, $0x20;
	v0 =	vadd.f32 v0, v1;
	v61 =	vadd.f32 v4, v5  }
.Ltmp4:
0x8b: {  	v2 =	vadd.f32 v2, v3;
	v62 =	vadd.f32 v7, v6;
	(pc) =	sbr.rel @p0 .LBB2_2-.Ltmp4, $4  }
0x8c: {  	v0 =	vadd.f32 v61, v0  }
0x8d: {  	v63 =	vadd.f32 v62, v2  }
0x8e: {  	[tilespmem:s22+$0xC860] =	vst v0  }
0x8f: {  	[tilespmem:s22+$0xC870] =	vst v63  }
0x90: {  	s20 =	sadd.s32 $0x1, s20  }
0x91: {  	p0 =	sne.s32 s20, s6  }
.Ltmp5:
0x92: {  	_ = 	snop;
	(pc) =	sbr.rel @p0 .LBB2_1-.Ltmp5, $4  }
0x93: {  	[hbm4b:s5+s2] =	stream.linear.scatter [tilespmem:s19], [sflag:$0x5], $0x1000, $0x38;
	[tilespmem:$0xD800] =	vst v63  }
0x94: {  	_ =	swait.ge [sflag:s7], $0x1000  }
0x95: {  	[sflag:s7] =	ssyncset.done $0x0  }
0x96: {  	[sflag:s7] =	ssyncadd.s32 $0xFFFFF000  }
0x97: {  	_ =	sfence.sel $0x180000  }
0x98: {  	[bflag:$0x0] =	sbarrier.arrive $0xFFFF  }
0x99: {  	p0 =	sne.s32 s1, $0x0;
	_ =	strace $0x90000047  }
0x9a: {  	s0 =	sadd.s32 @!p0 $0x100000, s0;
	[bflag:$0x2] =	sbarrier.arrive $0xFFFF  }
0x9b: {  	[sflag:s0] =	ssyncadd.tile.s32 @!p0 $0x1;
	_ =	shalt  }
.Lfunc_end2:
_tile_overlayer_lowered:
.L_overlay_start_2:
0x9c: {  	(tag) =	ssettag $0x2  }
0x9d: {  	s0 =	rddreg [dreg:$0x0];
	s2 =	stileid.u32  }
0x9e: {  	s1 =	rddreg [dreg:$0x1];
	p0 =	sne.s32 s2, $0x0  }
0x9f: {  	s3 =	rddreg [dreg:$0x2];
	[bflag:$0x3] =	sbarrier.arrive $0xFFFF;
	s2 =	simm.s32 @!p0 $0x1C05  }
0xa0: {  	[timem:s3], [sflag:s2] =	dma.local @!p0 [hbm:s0], s1  }
0xa1: {  	s0 =	simm.s32 @!p0 $0x5  }
0xa2: {  	_ =	swait.ge @!p0 [sflag:s0], s1  }
0xa3: {  	s1 =	ssub.s32 @!p0 $0x0, s1;
	[sflag:s0] =	ssyncset.done @!p0 $0x0  }
0xa4: {  	[sflag:s0] =	ssyncadd.s32 @!p0 s1  }
0xa5: {  	[bflag:$0x3] =	sbarrier.arrive $0xFFFF  }
0xa6: {  	_ =	shalt  }

</sc_bundles>
